<compile_context>
chip_gen: v7x
topology: tpu7x:2x2x1
jax: 0.10.2.dev20260603
libtpu: 0.0.44.dev20260713+nightly
codegen_flags: <defaults>
</compile_context>

<pallas_src>
import functools

import jax
import jax.numpy as jnp
from jax import lax
from jax.experimental import pallas as pl
from jax.experimental.pallas import tpu as pltpu
from jax.experimental.pallas import tpu_sc as plsc

_NC = 2
_NS = 16
_NW = _NC * _NS


def _uv_sparsecore(uid, iid, ue, ie):
    B = uid.shape[0]
    bpw = B // _NW
    nidx = bpw // 128

    mesh = plsc.VectorSubcoreMesh(
        core_axis_name="c", subcore_axis_name="s",
        num_cores=_NC, num_subcores=_NS)

    @functools.partial(
        pl.kernel,
        out_type=(jax.ShapeDtypeStruct((B,), jnp.float32),
                  jax.ShapeDtypeStruct((B,), jnp.float32)),
        mesh=mesh,
        compiler_params=pltpu.CompilerParams(
            use_tc_tiling_on_sc=False, needs_layout_passes=False,
            skip_device_barrier=True),
        scratch_types=[
            pltpu.VMEM((nidx, 128), jnp.int32),
            pltpu.VMEM((nidx, 128), jnp.int32),
            pltpu.VMEM((nidx, 128), jnp.float32),
            pltpu.VMEM((nidx, 128), jnp.float32),
            pltpu.SemaphoreType.DMA,
            pltpu.SemaphoreType.DMA,
        ],
    )
    def uv_kernel(uid_hbm, iid_hbm, ue_hbm, ie_hbm, u_hbm, v_hbm,
                  uid_v, iid_v, u_v, v_v, sem0, sem1):
        wid = lax.axis_index("s") * _NC + lax.axis_index("c")
        base = wid * bpw
        idx_copies = []
        for j in range(nidx):
            idx_copies.append(pltpu.async_copy(
                uid_hbm.at[pl.ds(base + 128 * j, 128)], uid_v.at[j], sem0))
            idx_copies.append(pltpu.async_copy(
                iid_hbm.at[pl.ds(base + 128 * j, 128)], iid_v.at[j], sem0))
        for cp in idx_copies:
            cp.wait()
        emb_copies = []
        for j in range(nidx):
            emb_copies.append(pltpu.async_copy(
                ue_hbm.at[0].at[uid_v.at[j]], u_v.at[j], sem1))
            emb_copies.append(pltpu.async_copy(
                ie_hbm.at[0].at[iid_v.at[j]], v_v.at[j], sem1))
        for cp in emb_copies:
            cp.wait()
        out_copies = []
        for j in range(nidx):
            out_copies.append(pltpu.async_copy(
                u_v.at[j], u_hbm.at[pl.ds(base + 128 * j, 128)], sem0))
            out_copies.append(pltpu.async_copy(
                v_v.at[j], v_hbm.at[pl.ds(base + 128 * j, 128)], sem0))
        for cp in out_copies:
            cp.wait()

    return uv_kernel(uid, iid, ue, ie)


def _matvec_body(fvt_ref, w_ref, o_ref):
    x = fvt_ref[...]
    w = w_ref[...]
    lin = lax.dot_general(w, x, (((1,), (0,)), ((), ())),
                          preferred_element_type=jnp.float32)
    o_ref[...] = lin.reshape(lin.shape[1])


def _matvec_tc(fvt, wt):
    F, B = fvt.shape
    bt = 8192
    return pl.pallas_call(
        _matvec_body,
        grid=(B // bt,),
        in_specs=[
            pl.BlockSpec((F, bt), lambda i: (0, i)),
            pl.BlockSpec((1, F), lambda i: (0, 0)),
        ],
        out_specs=pl.BlockSpec((bt,), lambda i: (i,)),
        out_shape=jax.ShapeDtypeStruct((B,), jnp.float32),
    )(fvt, wt)


def _combine_body(lin_ref, u_ref, v_ref, b_ref, o_ref):
    z = lin_ref[...] + u_ref[...] + v_ref[...] + b_ref[0]
    o_ref[...] = 1.0 / (1.0 + jnp.exp(-z))


def _combine_tc(lin, u, v, b):
    B = lin.shape[0]
    return pl.pallas_call(
        _combine_body,
        in_specs=[
            pl.BlockSpec((B,), lambda: (0,)),
            pl.BlockSpec((B,), lambda: (0,)),
            pl.BlockSpec((B,), lambda: (0,)),
            pl.BlockSpec(memory_space=pltpu.SMEM),
        ],
        out_specs=pl.BlockSpec((B,), lambda: (0,)),
        out_shape=jax.ShapeDtypeStruct((B,), jnp.float32),
    )(lin, u, v, b)


def kernel(feature_vector, user_emb, item_emb, W, b):
    B, F = feature_vector.shape
    uid = feature_vector[:, 0].astype(jnp.int32)
    iid = feature_vector[:, 1].astype(jnp.int32)
    u, v = _uv_sparsecore(uid, iid, user_emb.T, item_emb.T)
    fvt = feature_vector.T
    wt = jnp.concatenate([jnp.zeros((1, 2), W.dtype), W.T], axis=1)
    lin = _matvec_tc(fvt, wt)
    out = _combine_tc(lin, u, v, b)
    return out.reshape(B, 1)

# --- scband reference (transcript-rebuilt; emitter-appended) ---
"""Pipeline reference for scband-logistic-regression-35278861369851 (READ-ONLY COPY).

The authoritative reference and input builder live on the scoring server;
editing this copy changes nothing except your own understanding.
"""

import jax, jax.numpy as jnp
import numpy as np

NUM_USERS = 100000
NUM_ITEMS = 1000000
NUM_FEATURE = 128
BATCH = 16384

def setup_inputs(seed: int = 0) -> dict:
    key = jax.random.key(seed)
    k_uid, k_iid, k_feat, k_ue, k_ie, k_w, k_b = jax.random.split(key, 7)
    uid = jax.random.randint(k_uid, (BATCH, 1), 0, NUM_USERS).astype(jnp.float32)
    iid = jax.random.randint(k_iid, (BATCH, 1), 0, NUM_ITEMS).astype(jnp.float32)
    feats = jax.random.normal(k_feat, (BATCH, NUM_FEATURE), dtype=jnp.float32)
    feature_vector = jnp.concatenate([uid, iid, feats], axis=1)
    # learned parameters (xavier_normal for [N,1] embeddings: std = sqrt(2/(N+1)))
    user_emb = jax.random.normal(k_ue, (NUM_USERS, 1), dtype=jnp.float32) * np.sqrt(2.0 / (NUM_USERS + 1))
    item_emb = jax.random.normal(k_ie, (NUM_ITEMS, 1), dtype=jnp.float32) * np.sqrt(2.0 / (NUM_ITEMS + 1))
    bound = 1.0 / np.sqrt(NUM_FEATURE)
    W = jax.random.uniform(k_w, (NUM_FEATURE, 1), minval=-bound, maxval=bound, dtype=jnp.float32)
    b = jax.random.uniform(k_b, (1,), minval=-bound, maxval=bound, dtype=jnp.float32)
    return {"feature_vector": feature_vector, "user_emb": user_emb, "item_emb": item_emb, "W": W, "b": b}

def reference(feature_vector, user_emb, item_emb, W, b):
    uid = feature_vector[:, 0].astype(jnp.int32)
    iid = feature_vector[:, 1].astype(jnp.int32)
    u = jnp.take(user_emb, uid, axis=0)          # [B, 1] gather
    v = jnp.take(item_emb, iid, axis=0)          # [B, 1] gather
    lin = feature_vector[:, 2:] @ W + b          # [B, 1]
    return jax.nn.sigmoid(u + v + lin)

if __name__ == "__main__":
    import jax
    _d = setup_inputs()
    print(jax.jit(kernel)(*tuple(_d.values())))

</pallas_src>

<mosaic_0001>
#map = affine_map<(d0, d1) -> (0)>
#map1 = affine_map<(d0, d1) -> (0, 0)>
module attributes {stable_mosaic.version = 14 : i64} {
  func.func @uv_kernel(%arg0: i32, %arg1: i32, %arg2: memref<16384xi32, #tpu.memory_space<hbm>>, %arg3: memref<16384xi32, #tpu.memory_space<hbm>>, %arg4: memref<1x100000xf32, #tpu.memory_space<hbm>>, %arg5: memref<1x1000000xf32, #tpu.memory_space<hbm>>, %arg6: memref<16384xf32, #tpu.memory_space<hbm>>, %arg7: memref<16384xf32, #tpu.memory_space<hbm>>, %arg8: memref<4x128xi32, #tpu.memory_space<vmem>>, %arg9: memref<4x128xi32, #tpu.memory_space<vmem>>, %arg10: memref<4x128xf32, #tpu.memory_space<vmem>>, %arg11: memref<4x128xf32, #tpu.memory_space<vmem>>, %arg12: memref<!tpu.dma_semaphore, #tpu.memory_space<semaphore_mem>>, %arg13: memref<!tpu.dma_semaphore, #tpu.memory_space<semaphore_mem>>) attributes {dimension_semantics = [#tpu.dimension_semantics<core_parallel>, #tpu.dimension_semantics<subcore_parallel>], iteration_bounds = array<i64: 2, 16>, scalar_prefetch = 0 : i64, scratch_operands = 6 : i64, tpu.core_type = #tpu.core_type<sc_vector_subcore>, window_params = [{transform_indices = #map}, {transform_indices = #map}, {transform_indices = #map1}, {transform_indices = #map1}, {transform_indices = #map}, {transform_indices = #map}]} {
    %mul3A = arith.constant 2 : i32
    %mul3A_0 = arith.muli %arg1, %mul3A : i32
    %add3A = arith.addi %mul3A_0, %arg0 : i32
    %mul3A_1 = arith.constant 512 : i32
    %mul3A_2 = arith.muli %add3A, %mul3A_1 : i32
    %add3A_3 = arith.constant 0 : i32
    %add3A_4 = arith.addi %mul3A_2, %add3A_3 : i32
    %dma_start3A = arith.constant 0 : i32
    %dma_start3A_5 = arith.constant 0 : i32
    %dma_start3A_6 = tpu.memref_slice %arg8[%dma_start3A, %dma_start3A_5] : memref<4x128xi32, #tpu.memory_space<vmem>> -> memref<1x128xi32, #tpu.memory_space<vmem>>
    %dma_start3A_7 = tpu.memref_squeeze %dma_start3A_6 : memref<1x128xi32, #tpu.memory_space<vmem>> -> memref<128xi32, #tpu.memory_space<vmem>>
    %dma_start3A_8 = tpu.memref_slice %arg2[%add3A_4] : memref<16384xi32, #tpu.memory_space<hbm>> -> memref<128xi32, #tpu.memory_space<hbm>>
    %dma_start3A_9 = arith.constant 0 : i32
    %dma_start3A_10 = tpu.memref_slice %arg8[%dma_start3A, %dma_start3A_9] : memref<4x128xi32, #tpu.memory_space<vmem>> -> memref<1x128xi32, #tpu.memory_space<vmem>>
    %dma_start3A_11 = tpu.memref_squeeze %dma_start3A_10 : memref<1x128xi32, #tpu.memory_space<vmem>> -> memref<128xi32, #tpu.memory_space<vmem>>
    %dma_start3A_12 = tpu.memref_slice %arg2[%add3A_4] : memref<16384xi32, #tpu.memory_space<hbm>> -> memref<128xi32, #tpu.memory_space<hbm>>
    tpu.enqueue_dma source(%dma_start3A_12 : memref<128xi32, #tpu.memory_space<hbm>>) target(%dma_start3A_11 : memref<128xi32, #tpu.memory_space<vmem>>) target_semaphore(%arg12 : memref<!tpu.dma_semaphore, #tpu.memory_space<semaphore_mem>>)
    %add3A_13 = arith.constant 0 : i32
    %add3A_14 = arith.addi %mul3A_2, %add3A_13 : i32
    %dma_start3A_15 = arith.constant 0 : i32
    %dma_start3A_16 = arith.constant 0 : i32
    %dma_start3A_17 = tpu.memref_slice %arg9[%dma_start3A_15, %dma_start3A_16] : memref<4x128xi32, #tpu.memory_space<vmem>> -> memref<1x128xi32, #tpu.memory_space<vmem>>
    %dma_start3A_18 = tpu.memref_squeeze %dma_start3A_17 : memref<1x128xi32, #tpu.memory_space<vmem>> -> memref<128xi32, #tpu.memory_space<vmem>>
    %dma_start3A_19 = tpu.memref_slice %arg3[%add3A_14] : memref<16384xi32, #tpu.memory_space<hbm>> -> memref<128xi32, #tpu.memory_space<hbm>>
    %dma_start3A_20 = arith.constant 0 : i32
    %dma_start3A_21 = tpu.memref_slice %arg9[%dma_start3A_15, %dma_start3A_20] : memref<4x128xi32, #tpu.memory_space<vmem>> -> memref<1x128xi32, #tpu.memory_space<vmem>>
    %dma_start3A_22 = tpu.memref_squeeze %dma_start3A_21 : memref<1x128xi32, #tpu.memory_space<vmem>> -> memref<128xi32, #tpu.memory_space<vmem>>
    %dma_start3A_23 = tpu.memref_slice %arg3[%add3A_14] : memref<16384xi32, #tpu.memory_space<hbm>> -> memref<128xi32, #tpu.memory_space<hbm>>
    tpu.enqueue_dma source(%dma_start3A_23 : memref<128xi32, #tpu.memory_space<hbm>>) target(%dma_start3A_22 : memref<128xi32, #tpu.memory_space<vmem>>) target_semaphore(%arg12 : memref<!tpu.dma_semaphore, #tpu.memory_space<semaphore_mem>>)
    %add3A_24 = arith.constant 128 : i32
    %add3A_25 = arith.addi %mul3A_2, %add3A_24 : i32
    %dma_start3A_26 = arith.constant 1 : i32
    %dma_start3A_27 = arith.constant 0 : i32
    %dma_start3A_28 = tpu.memref_slice %arg8[%dma_start3A_26, %dma_start3A_27] : memref<4x128xi32, #tpu.memory_space<vmem>> -> memref<1x128xi32, #tpu.memory_space<vmem>>
    %dma_start3A_29 = tpu.memref_squeeze %dma_start3A_28 : memref<1x128xi32, #tpu.memory_space<vmem>> -> memref<128xi32, #tpu.memory_space<vmem>>
    %dma_start3A_30 = tpu.memref_slice %arg2[%add3A_25] : memref<16384xi32, #tpu.memory_space<hbm>> -> memref<128xi32, #tpu.memory_space<hbm>>
    %dma_start3A_31 = arith.constant 0 : i32
    %dma_start3A_32 = tpu.memref_slice %arg8[%dma_start3A_26, %dma_start3A_31] : memref<4x128xi32, #tpu.memory_space<vmem>> -> memref<1x128xi32, #tpu.memory_space<vmem>>
    %dma_start3A_33 = tpu.memref_squeeze %dma_start3A_32 : memref<1x128xi32, #tpu.memory_space<vmem>> -> memref<128xi32, #tpu.memory_space<vmem>>
    %dma_start3A_34 = tpu.memref_slice %arg2[%add3A_25] : memref<16384xi32, #tpu.memory_space<hbm>> -> memref<128xi32, #tpu.memory_space<hbm>>
    tpu.enqueue_dma source(%dma_start3A_34 : memref<128xi32, #tpu.memory_space<hbm>>) target(%dma_start3A_33 : memref<128xi32, #tpu.memory_space<vmem>>) target_semaphore(%arg12 : memref<!tpu.dma_semaphore, #tpu.memory_space<semaphore_mem>>)
    %add3A_35 = arith.constant 128 : i32
    %add3A_36 = arith.addi %mul3A_2, %add3A_35 : i32
    %dma_start3A_37 = arith.constant 1 : i32
    %dma_start3A_38 = arith.constant 0 : i32
    %dma_start3A_39 = tpu.memref_slice %arg9[%dma_start3A_37, %dma_start3A_38] : memref<4x128xi32, #tpu.memory_space<vmem>> -> memref<1x128xi32, #tpu.memory_space<vmem>>
    %dma_start3A_40 = tpu.memref_squeeze %dma_start3A_39 : memref<1x128xi32, #tpu.memory_space<vmem>> -> memref<128xi32, #tpu.memory_space<vmem>>
    %dma_start3A_41 = tpu.memref_slice %arg3[%add3A_36] : memref<16384xi32, #tpu.memory_space<hbm>> -> memref<128xi32, #tpu.memory_space<hbm>>
    %dma_start3A_42 = arith.constant 0 : i32
    %dma_start3A_43 = tpu.memref_slice %arg9[%dma_start3A_37, %dma_start3A_42] : memref<4x128xi32, #tpu.memory_space<vmem>> -> memref<1x128xi32, #tpu.memory_space<vmem>>
    %dma_start3A_44 = tpu.memref_squeeze %dma_start3A_43 : memref<1x128xi32, #tpu.memory_space<vmem>> -> memref<128xi32, #tpu.memory_space<vmem>>
    %dma_start3A_45 = tpu.memref_slice %arg3[%add3A_36] : memref<16384xi32, #tpu.memory_space<hbm>> -> memref<128xi32, #tpu.memory_space<hbm>>
    tpu.enqueue_dma source(%dma_start3A_45 : memref<128xi32, #tpu.memory_space<hbm>>) target(%dma_start3A_44 : memref<128xi32, #tpu.memory_space<vmem>>) target_semaphore(%arg12 : memref<!tpu.dma_semaphore, #tpu.memory_space<semaphore_mem>>)
    %add3A_46 = arith.constant 256 : i32
    %add3A_47 = arith.addi %mul3A_2, %add3A_46 : i32
    %dma_start3A_48 = arith.constant 2 : i32
    %dma_start3A_49 = arith.constant 0 : i32
    %dma_start3A_50 = tpu.memref_slice %arg8[%dma_start3A_48, %dma_start3A_49] : memref<4x128xi32, #tpu.memory_space<vmem>> -> memref<1x128xi32, #tpu.memory_space<vmem>>
    %dma_start3A_51 = tpu.memref_squeeze %dma_start3A_50 : memref<1x128xi32, #tpu.memory_space<vmem>> -> memref<128xi32, #tpu.memory_space<vmem>>
    %dma_start3A_52 = tpu.memref_slice %arg2[%add3A_47] : memref<16384xi32, #tpu.memory_space<hbm>> -> memref<128xi32, #tpu.memory_space<hbm>>
    %dma_start3A_53 = arith.constant 0 : i32
    %dma_start3A_54 = tpu.memref_slice %arg8[%dma_start3A_48, %dma_start3A_53] : memref<4x128xi32, #tpu.memory_space<vmem>> -> memref<1x128xi32, #tpu.memory_space<vmem>>
    %dma_start3A_55 = tpu.memref_squeeze %dma_start3A_54 : memref<1x128xi32, #tpu.memory_space<vmem>> -> memref<128xi32, #tpu.memory_space<vmem>>
    %dma_start3A_56 = tpu.memref_slice %arg2[%add3A_47] : memref<16384xi32, #tpu.memory_space<hbm>> -> memref<128xi32, #tpu.memory_space<hbm>>
    tpu.enqueue_dma source(%dma_start3A_56 : memref<128xi32, #tpu.memory_space<hbm>>) target(%dma_start3A_55 : memref<128xi32, #tpu.memory_space<vmem>>) target_semaphore(%arg12 : memref<!tpu.dma_semaphore, #tpu.memory_space<semaphore_mem>>)
    %add3A_57 = arith.constant 256 : i32
    %add3A_58 = arith.addi %mul3A_2, %add3A_57 : i32
    %dma_start3A_59 = arith.constant 2 : i32
    %dma_start3A_60 = arith.constant 0 : i32
    %dma_start3A_61 = tpu.memref_slice %arg9[%dma_start3A_59, %dma_start3A_60] : memref<4x128xi32, #tpu.memory_space<vmem>> -> memref<1x128xi32, #tpu.memory_space<vmem>>
    %dma_start3A_62 = tpu.memref_squeeze %dma_start3A_61 : memref<1x128xi32, #tpu.memory_space<vmem>> -> memref<128xi32, #tpu.memory_space<vmem>>
    %dma_start3A_63 = tpu.memref_slice %arg3[%add3A_58] : memref<16384xi32, #tpu.memory_space<hbm>> -> memref<128xi32, #tpu.memory_space<hbm>>
    %dma_start3A_64 = arith.constant 0 : i32
    %dma_start3A_65 = tpu.memref_slice %arg9[%dma_start3A_59, %dma_start3A_64] : memref<4x128xi32, #tpu.memory_space<vmem>> -> memref<1x128xi32, #tpu.memory_space<vmem>>
    %dma_start3A_66 = tpu.memref_squeeze %dma_start3A_65 : memref<1x128xi32, #tpu.memory_space<vmem>> -> memref<128xi32, #tpu.memory_space<vmem>>
    %dma_start3A_67 = tpu.memref_slice %arg3[%add3A_58] : memref<16384xi32, #tpu.memory_space<hbm>> -> memref<128xi32, #tpu.memory_space<hbm>>
    tpu.enqueue_dma source(%dma_start3A_67 : memref<128xi32, #tpu.memory_space<hbm>>) target(%dma_start3A_66 : memref<128xi32, #tpu.memory_space<vmem>>) target_semaphore(%arg12 : memref<!tpu.dma_semaphore, #tpu.memory_space<semaphore_mem>>)
    %add3A_68 = arith.constant 384 : i32
    %add3A_69 = arith.addi %mul3A_2, %add3A_68 : i32
    %dma_start3A_70 = arith.constant 3 : i32
    %dma_start3A_71 = arith.constant 0 : i32
    %dma_start3A_72 = tpu.memref_slice %arg8[%dma_start3A_70, %dma_start3A_71] : memref<4x128xi32, #tpu.memory_space<vmem>> -> memref<1x128xi32, #tpu.memory_space<vmem>>
    %dma_start3A_73 = tpu.memref_squeeze %dma_start3A_72 : memref<1x128xi32, #tpu.memory_space<vmem>> -> memref<128xi32, #tpu.memory_space<vmem>>
    %dma_start3A_74 = tpu.memref_slice %arg2[%add3A_69] : memref<16384xi32, #tpu.memory_space<hbm>> -> memref<128xi32, #tpu.memory_space<hbm>>
    %dma_start3A_75 = arith.constant 0 : i32
    %dma_start3A_76 = tpu.memref_slice %arg8[%dma_start3A_70, %dma_start3A_75] : memref<4x128xi32, #tpu.memory_space<vmem>> -> memref<1x128xi32, #tpu.memory_space<vmem>>
    %dma_start3A_77 = tpu.memref_squeeze %dma_start3A_76 : memref<1x128xi32, #tpu.memory_space<vmem>> -> memref<128xi32, #tpu.memory_space<vmem>>
    %dma_start3A_78 = tpu.memref_slice %arg2[%add3A_69] : memref<16384xi32, #tpu.memory_space<hbm>> -> memref<128xi32, #tpu.memory_space<hbm>>
    tpu.enqueue_dma source(%dma_start3A_78 : memref<128xi32, #tpu.memory_space<hbm>>) target(%dma_start3A_77 : memref<128xi32, #tpu.memory_space<vmem>>) target_semaphore(%arg12 : memref<!tpu.dma_semaphore, #tpu.memory_space<semaphore_mem>>)
    %add3A_79 = arith.constant 384 : i32
    %add3A_80 = arith.addi %mul3A_2, %add3A_79 : i32
    %dma_start3A_81 = arith.constant 3 : i32
    %dma_start3A_82 = arith.constant 0 : i32
    %dma_start3A_83 = tpu.memref_slice %arg9[%dma_start3A_81, %dma_start3A_82] : memref<4x128xi32, #tpu.memory_space<vmem>> -> memref<1x128xi32, #tpu.memory_space<vmem>>
    %dma_start3A_84 = tpu.memref_squeeze %dma_start3A_83 : memref<1x128xi32, #tpu.memory_space<vmem>> -> memref<128xi32, #tpu.memory_space<vmem>>
    %dma_start3A_85 = tpu.memref_slice %arg3[%add3A_80] : memref<16384xi32, #tpu.memory_space<hbm>> -> memref<128xi32, #tpu.memory_space<hbm>>
    %dma_start3A_86 = arith.constant 0 : i32
    %dma_start3A_87 = tpu.memref_slice %arg9[%dma_start3A_81, %dma_start3A_86] : memref<4x128xi32, #tpu.memory_space<vmem>> -> memref<1x128xi32, #tpu.memory_space<vmem>>
    %dma_start3A_88 = tpu.memref_squeeze %dma_start3A_87 : memref<1x128xi32, #tpu.memory_space<vmem>> -> memref<128xi32, #tpu.memory_space<vmem>>
    %dma_start3A_89 = tpu.memref_slice %arg3[%add3A_80] : memref<16384xi32, #tpu.memory_space<hbm>> -> memref<128xi32, #tpu.memory_space<hbm>>
    tpu.enqueue_dma source(%dma_start3A_89 : memref<128xi32, #tpu.memory_space<hbm>>) target(%dma_start3A_88 : memref<128xi32, #tpu.memory_space<vmem>>) target_semaphore(%arg12 : memref<!tpu.dma_semaphore, #tpu.memory_space<semaphore_mem>>)
    %dma_wait3A = arith.constant 0 : i32
    %dma_wait3A_90 = arith.constant 0 : i32
    %dma_wait3A_91 = tpu.memref_slice %arg8[%dma_wait3A, %dma_wait3A_90] : memref<4x128xi32, #tpu.memory_space<vmem>> -> memref<1x128xi32, #tpu.memory_space<vmem>>
    %dma_wait3A_92 = tpu.memref_squeeze %dma_wait3A_91 : memref<1x128xi32, #tpu.memory_space<vmem>> -> memref<128xi32, #tpu.memory_space<vmem>>
    %dma_wait3A_93 = tpu.memref_slice %arg2[%add3A_4] : memref<16384xi32, #tpu.memory_space<hbm>> -> memref<128xi32, #tpu.memory_space<hbm>>
    %dma_wait3A_94 = arith.constant 0 : i32
    %dma_wait3A_95 = tpu.memref_slice %arg8[%dma_wait3A, %dma_wait3A_94] : memref<4x128xi32, #tpu.memory_space<vmem>> -> memref<1x128xi32, #tpu.memory_space<vmem>>
    %dma_wait3A_96 = tpu.memref_squeeze %dma_wait3A_95 : memref<1x128xi32, #tpu.memory_space<vmem>> -> memref<128xi32, #tpu.memory_space<vmem>>
    %dma_wait3A_97 = tpu.memref_slice %arg2[%add3A_4] : memref<16384xi32, #tpu.memory_space<hbm>> -> memref<128xi32, #tpu.memory_space<hbm>>
    tpu.wait_dma2 semaphore(%arg12 : memref<!tpu.dma_semaphore, #tpu.memory_space<semaphore_mem>>) src(%dma_wait3A_97 : memref<128xi32, #tpu.memory_space<hbm>>) dst(%dma_wait3A_96 : memref<128xi32, #tpu.memory_space<vmem>>)
    %dma_wait3A_98 = arith.constant 0 : i32
    %dma_wait3A_99 = arith.constant 0 : i32
    %dma_wait3A_100 = tpu.memref_slice %arg9[%dma_wait3A_98, %dma_wait3A_99] : memref<4x128xi32, #tpu.memory_space<vmem>> -> memref<1x128xi32, #tpu.memory_space<vmem>>
    %dma_wait3A_101 = tpu.memref_squeeze %dma_wait3A_100 : memref<1x128xi32, #tpu.memory_space<vmem>> -> memref<128xi32, #tpu.memory_space<vmem>>
    %dma_wait3A_102 = tpu.memref_slice %arg3[%add3A_14] : memref<16384xi32, #tpu.memory_space<hbm>> -> memref<128xi32, #tpu.memory_space<hbm>>
    %dma_wait3A_103 = arith.constant 0 : i32
    %dma_wait3A_104 = tpu.memref_slice %arg9[%dma_wait3A_98, %dma_wait3A_103] : memref<4x128xi32, #tpu.memory_space<vmem>> -> memref<1x128xi32, #tpu.memory_space<vmem>>
    %dma_wait3A_105 = tpu.memref_squeeze %dma_wait3A_104 : memref<1x128xi32, #tpu.memory_space<vmem>> -> memref<128xi32, #tpu.memory_space<vmem>>
    %dma_wait3A_106 = tpu.memref_slice %arg3[%add3A_14] : memref<16384xi32, #tpu.memory_space<hbm>> -> memref<128xi32, #tpu.memory_space<hbm>>
    tpu.wait_dma2 semaphore(%arg12 : memref<!tpu.dma_semaphore, #tpu.memory_space<semaphore_mem>>) src(%dma_wait3A_106 : memref<128xi32, #tpu.memory_space<hbm>>) dst(%dma_wait3A_105 : memref<128xi32, #tpu.memory_space<vmem>>)
    %dma_wait3A_107 = arith.constant 1 : i32
    %dma_wait3A_108 = arith.constant 0 : i32
    %dma_wait3A_109 = tpu.memref_slice %arg8[%dma_wait3A_107, %dma_wait3A_108] : memref<4x128xi32, #tpu.memory_space<vmem>> -> memref<1x128xi32, #tpu.memory_space<vmem>>
    %dma_wait3A_110 = tpu.memref_squeeze %dma_wait3A_109 : memref<1x128xi32, #tpu.memory_space<vmem>> -> memref<128xi32, #tpu.memory_space<vmem>>
    %dma_wait3A_111 = tpu.memref_slice %arg2[%add3A_25] : memref<16384xi32, #tpu.memory_space<hbm>> -> memref<128xi32, #tpu.memory_space<hbm>>
    %dma_wait3A_112 = arith.constant 0 : i32
    %dma_wait3A_113 = tpu.memref_slice %arg8[%dma_wait3A_107, %dma_wait3A_112] : memref<4x128xi32, #tpu.memory_space<vmem>> -> memref<1x128xi32, #tpu.memory_space<vmem>>
    %dma_wait3A_114 = tpu.memref_squeeze %dma_wait3A_113 : memref<1x128xi32, #tpu.memory_space<vmem>> -> memref<128xi32, #tpu.memory_space<vmem>>
    %dma_wait3A_115 = tpu.memref_slice %arg2[%add3A_25] : memref<16384xi32, #tpu.memory_space<hbm>> -> memref<128xi32, #tpu.memory_space<hbm>>
    tpu.wait_dma2 semaphore(%arg12 : memref<!tpu.dma_semaphore, #tpu.memory_space<semaphore_mem>>) src(%dma_wait3A_115 : memref<128xi32, #tpu.memory_space<hbm>>) dst(%dma_wait3A_114 : memref<128xi32, #tpu.memory_space<vmem>>)
    %dma_wait3A_116 = arith.constant 1 : i32
    %dma_wait3A_117 = arith.constant 0 : i32
    %dma_wait3A_118 = tpu.memref_slice %arg9[%dma_wait3A_116, %dma_wait3A_117] : memref<4x128xi32, #tpu.memory_space<vmem>> -> memref<1x128xi32, #tpu.memory_space<vmem>>
    %dma_wait3A_119 = tpu.memref_squeeze %dma_wait3A_118 : memref<1x128xi32, #tpu.memory_space<vmem>> -> memref<128xi32, #tpu.memory_space<vmem>>
    %dma_wait3A_120 = tpu.memref_slice %arg3[%add3A_36] : memref<16384xi32, #tpu.memory_space<hbm>> -> memref<128xi32, #tpu.memory_space<hbm>>
    %dma_wait3A_121 = arith.constant 0 : i32
    %dma_wait3A_122 = tpu.memref_slice %arg9[%dma_wait3A_116, %dma_wait3A_121] : memref<4x128xi32, #tpu.memory_space<vmem>> -> memref<1x128xi32, #tpu.memory_space<vmem>>
    %dma_wait3A_123 = tpu.memref_squeeze %dma_wait3A_122 : memref<1x128xi32, #tpu.memory_space<vmem>> -> memref<128xi32, #tpu.memory_space<vmem>>
    %dma_wait3A_124 = tpu.memref_slice %arg3[%add3A_36] : memref<16384xi32, #tpu.memory_space<hbm>> -> memref<128xi32, #tpu.memory_space<hbm>>
    tpu.wait_dma2 semaphore(%arg12 : memref<!tpu.dma_semaphore, #tpu.memory_space<semaphore_mem>>) src(%dma_wait3A_124 : memref<128xi32, #tpu.memory_space<hbm>>) dst(%dma_wait3A_123 : memref<128xi32, #tpu.memory_space<vmem>>)
    %dma_wait3A_125 = arith.constant 2 : i32
    %dma_wait3A_126 = arith.constant 0 : i32
    %dma_wait3A_127 = tpu.memref_slice %arg8[%dma_wait3A_125, %dma_wait3A_126] : memref<4x128xi32, #tpu.memory_space<vmem>> -> memref<1x128xi32, #tpu.memory_space<vmem>>
    %dma_wait3A_128 = tpu.memref_squeeze %dma_wait3A_127 : memref<1x128xi32, #tpu.memory_space<vmem>> -> memref<128xi32, #tpu.memory_space<vmem>>
    %dma_wait3A_129 = tpu.memref_slice %arg2[%add3A_47] : memref<16384xi32, #tpu.memory_space<hbm>> -> memref<128xi32, #tpu.memory_space<hbm>>
    %dma_wait3A_130 = arith.constant 0 : i32
    %dma_wait3A_131 = tpu.memref_slice %arg8[%dma_wait3A_125, %dma_wait3A_130] : memref<4x128xi32, #tpu.memory_space<vmem>> -> memref<1x128xi32, #tpu.memory_space<vmem>>
    %dma_wait3A_132 = tpu.memref_squeeze %dma_wait3A_131 : memref<1x128xi32, #tpu.memory_space<vmem>> -> memref<128xi32, #tpu.memory_space<vmem>>
    %dma_wait3A_133 = tpu.memref_slice %arg2[%add3A_47] : memref<16384xi32, #tpu.memory_space<hbm>> -> memref<128xi32, #tpu.memory_space<hbm>>
    tpu.wait_dma2 semaphore(%arg12 : memref<!tpu.dma_semaphore, #tpu.memory_space<semaphore_mem>>) src(%dma_wait3A_133 : memref<128xi32, #tpu.memory_space<hbm>>) dst(%dma_wait3A_132 : memref<128xi32, #tpu.memory_space<vmem>>)
    %dma_wait3A_134 = arith.constant 2 : i32
    %dma_wait3A_135 = arith.constant 0 : i32
    %dma_wait3A_136 = tpu.memref_slice %arg9[%dma_wait3A_134, %dma_wait3A_135] : memref<4x128xi32, #tpu.memory_space<vmem>> -> memref<1x128xi32, #tpu.memory_space<vmem>>
    %dma_wait3A_137 = tpu.memref_squeeze %dma_wait3A_136 : memref<1x128xi32, #tpu.memory_space<vmem>> -> memref<128xi32, #tpu.memory_space<vmem>>
    %dma_wait3A_138 = tpu.memref_slice %arg3[%add3A_58] : memref<16384xi32, #tpu.memory_space<hbm>> -> memref<128xi32, #tpu.memory_space<hbm>>
    %dma_wait3A_139 = arith.constant 0 : i32
    %dma_wait3A_140 = tpu.memref_slice %arg9[%dma_wait3A_134, %dma_wait3A_139] : memref<4x128xi32, #tpu.memory_space<vmem>> -> memref<1x128xi32, #tpu.memory_space<vmem>>
    %dma_wait3A_141 = tpu.memref_squeeze %dma_wait3A_140 : memref<1x128xi32, #tpu.memory_space<vmem>> -> memref<128xi32, #tpu.memory_space<vmem>>
    %dma_wait3A_142 = tpu.memref_slice %arg3[%add3A_58] : memref<16384xi32, #tpu.memory_space<hbm>> -> memref<128xi32, #tpu.memory_space<hbm>>
    tpu.wait_dma2 semaphore(%arg12 : memref<!tpu.dma_semaphore, #tpu.memory_space<semaphore_mem>>) src(%dma_wait3A_142 : memref<128xi32, #tpu.memory_space<hbm>>) dst(%dma_wait3A_141 : memref<128xi32, #tpu.memory_space<vmem>>)
    %dma_wait3A_143 = arith.constant 3 : i32
    %dma_wait3A_144 = arith.constant 0 : i32
    %dma_wait3A_145 = tpu.memref_slice %arg8[%dma_wait3A_143, %dma_wait3A_144] : memref<4x128xi32, #tpu.memory_space<vmem>> -> memref<1x128xi32, #tpu.memory_space<vmem>>
    %dma_wait3A_146 = tpu.memref_squeeze %dma_wait3A_145 : memref<1x128xi32, #tpu.memory_space<vmem>> -> memref<128xi32, #tpu.memory_space<vmem>>
    %dma_wait3A_147 = tpu.memref_slice %arg2[%add3A_69] : memref<16384xi32, #tpu.memory_space<hbm>> -> memref<128xi32, #tpu.memory_space<hbm>>
    %dma_wait3A_148 = arith.constant 0 : i32
    %dma_wait3A_149 = tpu.memref_slice %arg8[%dma_wait3A_143, %dma_wait3A_148] : memref<4x128xi32, #tpu.memory_space<vmem>> -> memref<1x128xi32, #tpu.memory_space<vmem>>
    %dma_wait3A_150 = tpu.memref_squeeze %dma_wait3A_149 : memref<1x128xi32, #tpu.memory_space<vmem>> -> memref<128xi32, #tpu.memory_space<vmem>>
    %dma_wait3A_151 = tpu.memref_slice %arg2[%add3A_69] : memref<16384xi32, #tpu.memory_space<hbm>> -> memref<128xi32, #tpu.memory_space<hbm>>
    tpu.wait_dma2 semaphore(%arg12 : memref<!tpu.dma_semaphore, #tpu.memory_space<semaphore_mem>>) src(%dma_wait3A_151 : memref<128xi32, #tpu.memory_space<hbm>>) dst(%dma_wait3A_150 : memref<128xi32, #tpu.memory_space<vmem>>)
    %dma_wait3A_152 = arith.constant 3 : i32
    %dma_wait3A_153 = arith.constant 0 : i32
    %dma_wait3A_154 = tpu.memref_slice %arg9[%dma_wait3A_152, %dma_wait3A_153] : memref<4x128xi32, #tpu.memory_space<vmem>> -> memref<1x128xi32, #tpu.memory_space<vmem>>
    %dma_wait3A_155 = tpu.memref_squeeze %dma_wait3A_154 : memref<1x128xi32, #tpu.memory_space<vmem>> -> memref<128xi32, #tpu.memory_space<vmem>>
    %dma_wait3A_156 = tpu.memref_slice %arg3[%add3A_80] : memref<16384xi32, #tpu.memory_space<hbm>> -> memref<128xi32, #tpu.memory_space<hbm>>
    %dma_wait3A_157 = arith.constant 0 : i32
    %dma_wait3A_158 = tpu.memref_slice %arg9[%dma_wait3A_152, %dma_wait3A_157] : memref<4x128xi32, #tpu.memory_space<vmem>> -> memref<1x128xi32, #tpu.memory_space<vmem>>
    %dma_wait3A_159 = tpu.memref_squeeze %dma_wait3A_158 : memref<1x128xi32, #tpu.memory_space<vmem>> -> memref<128xi32, #tpu.memory_space<vmem>>
    %dma_wait3A_160 = tpu.memref_slice %arg3[%add3A_80] : memref<16384xi32, #tpu.memory_space<hbm>> -> memref<128xi32, #tpu.memory_space<hbm>>
    tpu.wait_dma2 semaphore(%arg12 : memref<!tpu.dma_semaphore, #tpu.memory_space<semaphore_mem>>) src(%dma_wait3A_160 : memref<128xi32, #tpu.memory_space<hbm>>) dst(%dma_wait3A_159 : memref<128xi32, #tpu.memory_space<vmem>>)
    %dma_start3A_161 = arith.constant 0 : i32
    %dma_start3A_162 = arith.constant 0 : i32
    %dma_start3A_163 = arith.constant 0 : i32
    %dma_start3A_164 = arith.constant 0 : i32
    %dma_start3A_165 = tpu.memref_slice %arg10[%dma_start3A_163, %dma_start3A_164] : memref<4x128xf32, #tpu.memory_space<vmem>> -> memref<1x128xf32, #tpu.memory_space<vmem>>
    %dma_start3A_166 = tpu.memref_squeeze %dma_start3A_165 : memref<1x128xf32, #tpu.memory_space<vmem>> -> memref<128xf32, #tpu.memory_space<vmem>>
    %dma_start3A_167 = arith.constant 0 : i32
    %dma_start3A_168 = tpu.memref_slice %arg8[%dma_start3A_162, %dma_start3A_167] : memref<4x128xi32, #tpu.memory_space<vmem>> -> memref<1x128xi32, #tpu.memory_space<vmem>>
    %dma_start3A_169 = tpu.memref_squeeze %dma_start3A_168 : memref<1x128xi32, #tpu.memory_space<vmem>> -> memref<128xi32, #tpu.memory_space<vmem>>
    %dma_start3A_170 = arith.constant 0 : i32
    %dma_start3A_171 = tpu.memref_slice %arg4[%dma_start3A_161, %dma_start3A_170] : memref<1x100000xf32, #tpu.memory_space<hbm>> -> memref<1x100000xf32, #tpu.memory_space<hbm>>
    %dma_start3A_172 = tpu.memref_squeeze %dma_start3A_171 : memref<1x100000xf32, #tpu.memory_space<hbm>> -> memref<100000xf32, #tpu.memory_space<hbm>>
    %dma_start3A_173 = arith.constant 0 : i32
    %dma_start3A_174 = tpu.memref_slice %dma_start3A_172[%dma_start3A_173] : memref<100000xf32, #tpu.memory_space<hbm>> -> memref<100000xf32, #tpu.memory_space<hbm>>
    tpu.enqueue_indirect_dma source(%dma_start3A_174 : memref<100000xf32, #tpu.memory_space<hbm>>) target(%dma_start3A_166 : memref<128xf32, #tpu.memory_space<vmem>>) offsets(%dma_start3A_169 : memref<128xi32, #tpu.memory_space<vmem>>) semaphore(%arg13 : memref<!tpu.dma_semaphore, #tpu.memory_space<semaphore_mem>>)
    %dma_start3A_175 = arith.constant 0 : i32
    %dma_start3A_176 = arith.constant 0 : i32
    %dma_start3A_177 = arith.constant 0 : i32
    %dma_start3A_178 = arith.constant 0 : i32
    %dma_start3A_179 = tpu.memref_slice %arg11[%dma_start3A_177, %dma_start3A_178] : memref<4x128xf32, #tpu.memory_space<vmem>> -> memref<1x128xf32, #tpu.memory_space<vmem>>
    %dma_start3A_180 = tpu.memref_squeeze %dma_start3A_179 : memref<1x128xf32, #tpu.memory_space<vmem>> -> memref<128xf32, #tpu.memory_space<vmem>>
    %dma_start3A_181 = arith.constant 0 : i32
    %dma_start3A_182 = tpu.memref_slice %arg9[%dma_start3A_176, %dma_start3A_181] : memref<4x128xi32, #tpu.memory_space<vmem>> -> memref<1x128xi32, #tpu.memory_space<vmem>>
    %dma_start3A_183 = tpu.memref_squeeze %dma_start3A_182 : memref<1x128xi32, #tpu.memory_space<vmem>> -> memref<128xi32, #tpu.memory_space<vmem>>
    %dma_start3A_184 = arith.constant 0 : i32
    %dma_start3A_185 = tpu.memref_slice %arg5[%dma_start3A_175, %dma_start3A_184] : memref<1x1000000xf32, #tpu.memory_space<hbm>> -> memref<1x1000000xf32, #tpu.memory_space<hbm>>
    %dma_start3A_186 = tpu.memref_squeeze %dma_start3A_185 : memref<1x1000000xf32, #tpu.memory_space<hbm>> -> memref<1000000xf32, #tpu.memory_space<hbm>>
    %dma_start3A_187 = arith.constant 0 : i32
    %dma_start3A_188 = tpu.memref_slice %dma_start3A_186[%dma_start3A_187] : memref<1000000xf32, #tpu.memory_space<hbm>> -> memref<1000000xf32, #tpu.memory_space<hbm>>
    tpu.enqueue_indirect_dma source(%dma_start3A_188 : memref<1000000xf32, #tpu.memory_space<hbm>>) target(%dma_start3A_180 : memref<128xf32, #tpu.memory_space<vmem>>) offsets(%dma_start3A_183 : memref<128xi32, #tpu.memory_space<vmem>>) semaphore(%arg13 : memref<!tpu.dma_semaphore, #tpu.memory_space<semaphore_mem>>)
    %dma_start3A_189 = arith.constant 0 : i32
    %dma_start3A_190 = arith.constant 1 : i32
    %dma_start3A_191 = arith.constant 1 : i32
    %dma_start3A_192 = arith.constant 0 : i32
    %dma_start3A_193 = tpu.memref_slice %arg10[%dma_start3A_191, %dma_start3A_192] : memref<4x128xf32, #tpu.memory_space<vmem>> -> memref<1x128xf32, #tpu.memory_space<vmem>>
    %dma_start3A_194 = tpu.memref_squeeze %dma_start3A_193 : memref<1x128xf32, #tpu.memory_space<vmem>> -> memref<128xf32, #tpu.memory_space<vmem>>
    %dma_start3A_195 = arith.constant 0 : i32
    %dma_start3A_196 = tpu.memref_slice %arg8[%dma_start3A_190, %dma_start3A_195] : memref<4x128xi32, #tpu.memory_space<vmem>> -> memref<1x128xi32, #tpu.memory_space<vmem>>
    %dma_start3A_197 = tpu.memref_squeeze %dma_start3A_196 : memref<1x128xi32, #tpu.memory_space<vmem>> -> memref<128xi32, #tpu.memory_space<vmem>>
    %dma_start3A_198 = arith.constant 0 : i32
    %dma_start3A_199 = tpu.memref_slice %arg4[%dma_start3A_189, %dma_start3A_198] : memref<1x100000xf32, #tpu.memory_space<hbm>> -> memref<1x100000xf32, #tpu.memory_space<hbm>>
    %dma_start3A_200 = tpu.memref_squeeze %dma_start3A_199 : memref<1x100000xf32, #tpu.memory_space<hbm>> -> memref<100000xf32, #tpu.memory_space<hbm>>
    %dma_start3A_201 = arith.constant 0 : i32
    %dma_start3A_202 = tpu.memref_slice %dma_start3A_200[%dma_start3A_201] : memref<100000xf32, #tpu.memory_space<hbm>> -> memref<100000xf32, #tpu.memory_space<hbm>>
    tpu.enqueue_indirect_dma source(%dma_start3A_202 : memref<100000xf32, #tpu.memory_space<hbm>>) target(%dma_start3A_194 : memref<128xf32, #tpu.memory_space<vmem>>) offsets(%dma_start3A_197 : memref<128xi32, #tpu.memory_space<vmem>>) semaphore(%arg13 : memref<!tpu.dma_semaphore, #tpu.memory_space<semaphore_mem>>)
    %dma_start3A_203 = arith.constant 0 : i32
    %dma_start3A_204 = arith.constant 1 : i32
    %dma_start3A_205 = arith.constant 1 : i32
    %dma_start3A_206 = arith.constant 0 : i32
    %dma_start3A_207 = tpu.memref_slice %arg11[%dma_start3A_205, %dma_start3A_206] : memref<4x128xf32, #tpu.memory_space<vmem>> -> memref<1x128xf32, #tpu.memory_space<vmem>>
    %dma_start3A_208 = tpu.memref_squeeze %dma_start3A_207 : memref<1x128xf32, #tpu.memory_space<vmem>> -> memref<128xf32, #tpu.memory_space<vmem>>
    %dma_start3A_209 = arith.constant 0 : i32
    %dma_start3A_210 = tpu.memref_slice %arg9[%dma_start3A_204, %dma_start3A_209] : memref<4x128xi32, #tpu.memory_space<vmem>> -> memref<1x128xi32, #tpu.memory_space<vmem>>
    %dma_start3A_211 = tpu.memref_squeeze %dma_start3A_210 : memref<1x128xi32, #tpu.memory_space<vmem>> -> memref<128xi32, #tpu.memory_space<vmem>>
    %dma_start3A_212 = arith.constant 0 : i32
    %dma_start3A_213 = tpu.memref_slice %arg5[%dma_start3A_203, %dma_start3A_212] : memref<1x1000000xf32, #tpu.memory_space<hbm>> -> memref<1x1000000xf32, #tpu.memory_space<hbm>>
    %dma_start3A_214 = tpu.memref_squeeze %dma_start3A_213 : memref<1x1000000xf32, #tpu.memory_space<hbm>> -> memref<1000000xf32, #tpu.memory_space<hbm>>
    %dma_start3A_215 = arith.constant 0 : i32
    %dma_start3A_216 = tpu.memref_slice %dma_start3A_214[%dma_start3A_215] : memref<1000000xf32, #tpu.memory_space<hbm>> -> memref<1000000xf32, #tpu.memory_space<hbm>>
    tpu.enqueue_indirect_dma source(%dma_start3A_216 : memref<1000000xf32, #tpu.memory_space<hbm>>) target(%dma_start3A_208 : memref<128xf32, #tpu.memory_space<vmem>>) offsets(%dma_start3A_211 : memref<128xi32, #tpu.memory_space<vmem>>) semaphore(%arg13 : memref<!tpu.dma_semaphore, #tpu.memory_space<semaphore_mem>>)
    %dma_start3A_217 = arith.constant 0 : i32
    %dma_start3A_218 = arith.constant 2 : i32
    %dma_start3A_219 = arith.constant 2 : i32
    %dma_start3A_220 = arith.constant 0 : i32
    %dma_start3A_221 = tpu.memref_slice %arg10[%dma_start3A_219, %dma_start3A_220] : memref<4x128xf32, #tpu.memory_space<vmem>> -> memref<1x128xf32, #tpu.memory_space<vmem>>
    %dma_start3A_222 = tpu.memref_squeeze %dma_start3A_221 : memref<1x128xf32, #tpu.memory_space<vmem>> -> memref<128xf32, #tpu.memory_space<vmem>>
    %dma_start3A_223 = arith.constant 0 : i32
    %dma_start3A_224 = tpu.memref_slice %arg8[%dma_start3A_218, %dma_start3A_223] : memref<4x128xi32, #tpu.memory_space<vmem>> -> memref<1x128xi32, #tpu.memory_space<vmem>>
    %dma_start3A_225 = tpu.memref_squeeze %dma_start3A_224 : memref<1x128xi32, #tpu.memory_space<vmem>> -> memref<128xi32, #tpu.memory_space<vmem>>
    %dma_start3A_226 = arith.constant 0 : i32
    %dma_start3A_227 = tpu.memref_slice %arg4[%dma_start3A_217, %dma_start3A_226] : memref<1x100000xf32, #tpu.memory_space<hbm>> -> memref<1x100000xf32, #tpu.memory_space<hbm>>
    %dma_start3A_228 = tpu.memref_squeeze %dma_start3A_227 : memref<1x100000xf32, #tpu.memory_space<hbm>> -> memref<100000xf32, #tpu.memory_space<hbm>>
    %dma_start3A_229 = arith.constant 0 : i32
    %dma_start3A_230 = tpu.memref_slice %dma_start3A_228[%dma_start3A_229] : memref<100000xf32, #tpu.memory_space<hbm>> -> memref<100000xf32, #tpu.memory_space<hbm>>
    tpu.enqueue_indirect_dma source(%dma_start3A_230 : memref<100000xf32, #tpu.memory_space<hbm>>) target(%dma_start3A_222 : memref<128xf32, #tpu.memory_space<vmem>>) offsets(%dma_start3A_225 : memref<128xi32, #tpu.memory_space<vmem>>) semaphore(%arg13 : memref<!tpu.dma_semaphore, #tpu.memory_space<semaphore_mem>>)
    %dma_start3A_231 = arith.constant 0 : i32
    %dma_start3A_232 = arith.constant 2 : i32
    %dma_start3A_233 = arith.constant 2 : i32
    %dma_start3A_234 = arith.constant 0 : i32
    %dma_start3A_235 = tpu.memref_slice %arg11[%dma_start3A_233, %dma_start3A_234] : memref<4x128xf32, #tpu.memory_space<vmem>> -> memref<1x128xf32, #tpu.memory_space<vmem>>
    %dma_start3A_236 = tpu.memref_squeeze %dma_start3A_235 : memref<1x128xf32, #tpu.memory_space<vmem>> -> memref<128xf32, #tpu.memory_space<vmem>>
    %dma_start3A_237 = arith.constant 0 : i32
    %dma_start3A_238 = tpu.memref_slice %arg9[%dma_start3A_232, %dma_start3A_237] : memref<4x128xi32, #tpu.memory_space<vmem>> -> memref<1x128xi32, #tpu.memory_space<vmem>>
    %dma_start3A_239 = tpu.memref_squeeze %dma_start3A_238 : memref<1x128xi32, #tpu.memory_space<vmem>> -> memref<128xi32, #tpu.memory_space<vmem>>
    %dma_start3A_240 = arith.constant 0 : i32
    %dma_start3A_241 = tpu.memref_slice %arg5[%dma_start3A_231, %dma_start3A_240] : memref<1x1000000xf32, #tpu.memory_space<hbm>> -> memref<1x1000000xf32, #tpu.memory_space<hbm>>
    %dma_start3A_242 = tpu.memref_squeeze %dma_start3A_241 : memref<1x1000000xf32, #tpu.memory_space<hbm>> -> memref<1000000xf32, #tpu.memory_space<hbm>>
    %dma_start3A_243 = arith.constant 0 : i32
    %dma_start3A_244 = tpu.memref_slice %dma_start3A_242[%dma_start3A_243] : memref<1000000xf32, #tpu.memory_space<hbm>> -> memref<1000000xf32, #tpu.memory_space<hbm>>
    tpu.enqueue_indirect_dma source(%dma_start3A_244 : memref<1000000xf32, #tpu.memory_space<hbm>>) target(%dma_start3A_236 : memref<128xf32, #tpu.memory_space<vmem>>) offsets(%dma_start3A_239 : memref<128xi32, #tpu.memory_space<vmem>>) semaphore(%arg13 : memref<!tpu.dma_semaphore, #tpu.memory_space<semaphore_mem>>)
    %dma_start3A_245 = arith.constant 0 : i32
    %dma_start3A_246 = arith.constant 3 : i32
    %dma_start3A_247 = arith.constant 3 : i32
    %dma_start3A_248 = arith.constant 0 : i32
    %dma_start3A_249 = tpu.memref_slice %arg10[%dma_start3A_247, %dma_start3A_248] : memref<4x128xf32, #tpu.memory_space<vmem>> -> memref<1x128xf32, #tpu.memory_space<vmem>>
    %dma_start3A_250 = tpu.memref_squeeze %dma_start3A_249 : memref<1x128xf32, #tpu.memory_space<vmem>> -> memref<128xf32, #tpu.memory_space<vmem>>
    %dma_start3A_251 = arith.constant 0 : i32
    %dma_start3A_252 = tpu.memref_slice %arg8[%dma_start3A_246, %dma_start3A_251] : memref<4x128xi32, #tpu.memory_space<vmem>> -> memref<1x128xi32, #tpu.memory_space<vmem>>
    %dma_start3A_253 = tpu.memref_squeeze %dma_start3A_252 : memref<1x128xi32, #tpu.memory_space<vmem>> -> memref<128xi32, #tpu.memory_space<vmem>>
    %dma_start3A_254 = arith.constant 0 : i32
    %dma_start3A_255 = tpu.memref_slice %arg4[%dma_start3A_245, %dma_start3A_254] : memref<1x100000xf32, #tpu.memory_space<hbm>> -> memref<1x100000xf32, #tpu.memory_space<hbm>>
    %dma_start3A_256 = tpu.memref_squeeze %dma_start3A_255 : memref<1x100000xf32, #tpu.memory_space<hbm>> -> memref<100000xf32, #tpu.memory_space<hbm>>
    %dma_start3A_257 = arith.constant 0 : i32
    %dma_start3A_258 = tpu.memref_slice %dma_start3A_256[%dma_start3A_257] : memref<100000xf32, #tpu.memory_space<hbm>> -> memref<100000xf32, #tpu.memory_space<hbm>>
    tpu.enqueue_indirect_dma source(%dma_start3A_258 : memref<100000xf32, #tpu.memory_space<hbm>>) target(%dma_start3A_250 : memref<128xf32, #tpu.memory_space<vmem>>) offsets(%dma_start3A_253 : memref<128xi32, #tpu.memory_space<vmem>>) semaphore(%arg13 : memref<!tpu.dma_semaphore, #tpu.memory_space<semaphore_mem>>)
    %dma_start3A_259 = arith.constant 0 : i32
    %dma_start3A_260 = arith.constant 3 : i32
    %dma_start3A_261 = arith.constant 3 : i32
    %dma_start3A_262 = arith.constant 0 : i32
    %dma_start3A_263 = tpu.memref_slice %arg11[%dma_start3A_261, %dma_start3A_262] : memref<4x128xf32, #tpu.memory_space<vmem>> -> memref<1x128xf32, #tpu.memory_space<vmem>>
    %dma_start3A_264 = tpu.memref_squeeze %dma_start3A_263 : memref<1x128xf32, #tpu.memory_space<vmem>> -> memref<128xf32, #tpu.memory_space<vmem>>
    %dma_start3A_265 = arith.constant 0 : i32
    %dma_start3A_266 = tpu.memref_slice %arg9[%dma_start3A_260, %dma_start3A_265] : memref<4x128xi32, #tpu.memory_space<vmem>> -> memref<1x128xi32, #tpu.memory_space<vmem>>
    %dma_start3A_267 = tpu.memref_squeeze %dma_start3A_266 : memref<1x128xi32, #tpu.memory_space<vmem>> -> memref<128xi32, #tpu.memory_space<vmem>>
    %dma_start3A_268 = arith.constant 0 : i32
    %dma_start3A_269 = tpu.memref_slice %arg5[%dma_start3A_259, %dma_start3A_268] : memref<1x1000000xf32, #tpu.memory_space<hbm>> -> memref<1x1000000xf32, #tpu.memory_space<hbm>>
    %dma_start3A_270 = tpu.memref_squeeze %dma_start3A_269 : memref<1x1000000xf32, #tpu.memory_space<hbm>> -> memref<1000000xf32, #tpu.memory_space<hbm>>
    %dma_start3A_271 = arith.constant 0 : i32
    %dma_start3A_272 = tpu.memref_slice %dma_start3A_270[%dma_start3A_271] : memref<1000000xf32, #tpu.memory_space<hbm>> -> memref<1000000xf32, #tpu.memory_space<hbm>>
    tpu.enqueue_indirect_dma source(%dma_start3A_272 : memref<1000000xf32, #tpu.memory_space<hbm>>) target(%dma_start3A_264 : memref<128xf32, #tpu.memory_space<vmem>>) offsets(%dma_start3A_267 : memref<128xi32, #tpu.memory_space<vmem>>) semaphore(%arg13 : memref<!tpu.dma_semaphore, #tpu.memory_space<semaphore_mem>>)
    %dma_wait3A_273 = arith.constant 0 : i32
    %dma_wait3A_274 = arith.constant 0 : i32
    %dma_wait3A_275 = arith.constant 0 : i32
    %dma_wait3A_276 = arith.constant 0 : i32
    %dma_wait3A_277 = tpu.memref_slice %arg10[%dma_wait3A_275, %dma_wait3A_276] : memref<4x128xf32, #tpu.memory_space<vmem>> -> memref<1x128xf32, #tpu.memory_space<vmem>>
    %dma_wait3A_278 = tpu.memref_squeeze %dma_wait3A_277 : memref<1x128xf32, #tpu.memory_space<vmem>> -> memref<128xf32, #tpu.memory_space<vmem>>
    %dma_wait3A_279 = arith.constant 0 : i32
    %dma_wait3A_280 = tpu.memref_slice %arg8[%dma_wait3A_274, %dma_wait3A_279] : memref<4x128xi32, #tpu.memory_space<vmem>> -> memref<1x128xi32, #tpu.memory_space<vmem>>
    %dma_wait3A_281 = tpu.memref_squeeze %dma_wait3A_280 : memref<1x128xi32, #tpu.memory_space<vmem>> -> memref<128xi32, #tpu.memory_space<vmem>>
    %dma_wait3A_282 = arith.constant 0 : i32
    %dma_wait3A_283 = tpu.memref_slice %arg4[%dma_wait3A_273, %dma_wait3A_282] : memref<1x100000xf32, #tpu.memory_space<hbm>> -> memref<1x100000xf32, #tpu.memory_space<hbm>>
    %dma_wait3A_284 = tpu.memref_squeeze %dma_wait3A_283 : memref<1x100000xf32, #tpu.memory_space<hbm>> -> memref<100000xf32, #tpu.memory_space<hbm>>
    %dma_wait3A_285 = arith.constant 0 : i32
    %dma_wait3A_286 = tpu.memref_slice %dma_wait3A_284[%dma_wait3A_285] : memref<100000xf32, #tpu.memory_space<hbm>> -> memref<100000xf32, #tpu.memory_space<hbm>>
    tpu.wait_indirect_dma semaphore(%arg13 : memref<!tpu.dma_semaphore, #tpu.memory_space<semaphore_mem>>) src(%dma_wait3A_286 : memref<100000xf32, #tpu.memory_space<hbm>>) dst(%dma_wait3A_278 : memref<128xf32, #tpu.memory_space<vmem>>)
    %dma_wait3A_287 = arith.constant 0 : i32
    %dma_wait3A_288 = arith.constant 0 : i32
    %dma_wait3A_289 = arith.constant 0 : i32
    %dma_wait3A_290 = arith.constant 0 : i32
    %dma_wait3A_291 = tpu.memref_slice %arg11[%dma_wait3A_289, %dma_wait3A_290] : memref<4x128xf32, #tpu.memory_space<vmem>> -> memref<1x128xf32, #tpu.memory_space<vmem>>
    %dma_wait3A_292 = tpu.memref_squeeze %dma_wait3A_291 : memref<1x128xf32, #tpu.memory_space<vmem>> -> memref<128xf32, #tpu.memory_space<vmem>>
    %dma_wait3A_293 = arith.constant 0 : i32
    %dma_wait3A_294 = tpu.memref_slice %arg9[%dma_wait3A_288, %dma_wait3A_293] : memref<4x128xi32, #tpu.memory_space<vmem>> -> memref<1x128xi32, #tpu.memory_space<vmem>>
    %dma_wait3A_295 = tpu.memref_squeeze %dma_wait3A_294 : memref<1x128xi32, #tpu.memory_space<vmem>> -> memref<128xi32, #tpu.memory_space<vmem>>
    %dma_wait3A_296 = arith.constant 0 : i32
    %dma_wait3A_297 = tpu.memref_slice %arg5[%dma_wait3A_287, %dma_wait3A_296] : memref<1x1000000xf32, #tpu.memory_space<hbm>> -> memref<1x1000000xf32, #tpu.memory_space<hbm>>
    %dma_wait3A_298 = tpu.memref_squeeze %dma_wait3A_297 : memref<1x1000000xf32, #tpu.memory_space<hbm>> -> memref<1000000xf32, #tpu.memory_space<hbm>>
    %dma_wait3A_299 = arith.constant 0 : i32
    %dma_wait3A_300 = tpu.memref_slice %dma_wait3A_298[%dma_wait3A_299] : memref<1000000xf32, #tpu.memory_space<hbm>> -> memref<1000000xf32, #tpu.memory_space<hbm>>
    tpu.wait_indirect_dma semaphore(%arg13 : memref<!tpu.dma_semaphore, #tpu.memory_space<semaphore_mem>>) src(%dma_wait3A_300 : memref<1000000xf32, #tpu.memory_space<hbm>>) dst(%dma_wait3A_292 : memref<128xf32, #tpu.memory_space<vmem>>)
    %dma_wait3A_301 = arith.constant 0 : i32
    %dma_wait3A_302 = arith.constant 1 : i32
    %dma_wait3A_303 = arith.constant 1 : i32
    %dma_wait3A_304 = arith.constant 0 : i32
    %dma_wait3A_305 = tpu.memref_slice %arg10[%dma_wait3A_303, %dma_wait3A_304] : memref<4x128xf32, #tpu.memory_space<vmem>> -> memref<1x128xf32, #tpu.memory_space<vmem>>
    %dma_wait3A_306 = tpu.memref_squeeze %dma_wait3A_305 : memref<1x128xf32, #tpu.memory_space<vmem>> -> memref<128xf32, #tpu.memory_space<vmem>>
    %dma_wait3A_307 = arith.constant 0 : i32
    %dma_wait3A_308 = tpu.memref_slice %arg8[%dma_wait3A_302, %dma_wait3A_307] : memref<4x128xi32, #tpu.memory_space<vmem>> -> memref<1x128xi32, #tpu.memory_space<vmem>>
    %dma_wait3A_309 = tpu.memref_squeeze %dma_wait3A_308 : memref<1x128xi32, #tpu.memory_space<vmem>> -> memref<128xi32, #tpu.memory_space<vmem>>
    %dma_wait3A_310 = arith.constant 0 : i32
    %dma_wait3A_311 = tpu.memref_slice %arg4[%dma_wait3A_301, %dma_wait3A_310] : memref<1x100000xf32, #tpu.memory_space<hbm>> -> memref<1x100000xf32, #tpu.memory_space<hbm>>
    %dma_wait3A_312 = tpu.memref_squeeze %dma_wait3A_311 : memref<1x100000xf32, #tpu.memory_space<hbm>> -> memref<100000xf32, #tpu.memory_space<hbm>>
    %dma_wait3A_313 = arith.constant 0 : i32
    %dma_wait3A_314 = tpu.memref_slice %dma_wait3A_312[%dma_wait3A_313] : memref<100000xf32, #tpu.memory_space<hbm>> -> memref<100000xf32, #tpu.memory_space<hbm>>
    tpu.wait_indirect_dma semaphore(%arg13 : memref<!tpu.dma_semaphore, #tpu.memory_space<semaphore_mem>>) src(%dma_wait3A_314 : memref<100000xf32, #tpu.memory_space<hbm>>) dst(%dma_wait3A_306 : memref<128xf32, #tpu.memory_space<vmem>>)
    %dma_wait3A_315 = arith.constant 0 : i32
    %dma_wait3A_316 = arith.constant 1 : i32
    %dma_wait3A_317 = arith.constant 1 : i32
    %dma_wait3A_318 = arith.constant 0 : i32
    %dma_wait3A_319 = tpu.memref_slice %arg11[%dma_wait3A_317, %dma_wait3A_318] : memref<4x128xf32, #tpu.memory_space<vmem>> -> memref<1x128xf32, #tpu.memory_space<vmem>>
    %dma_wait3A_320 = tpu.memref_squeeze %dma_wait3A_319 : memref<1x128xf32, #tpu.memory_space<vmem>> -> memref<128xf32, #tpu.memory_space<vmem>>
    %dma_wait3A_321 = arith.constant 0 : i32
    %dma_wait3A_322 = tpu.memref_slice %arg9[%dma_wait3A_316, %dma_wait3A_321] : memref<4x128xi32, #tpu.memory_space<vmem>> -> memref<1x128xi32, #tpu.memory_space<vmem>>
    %dma_wait3A_323 = tpu.memref_squeeze %dma_wait3A_322 : memref<1x128xi32, #tpu.memory_space<vmem>> -> memref<128xi32, #tpu.memory_space<vmem>>
    %dma_wait3A_324 = arith.constant 0 : i32
    %dma_wait3A_325 = tpu.memref_slice %arg5[%dma_wait3A_315, %dma_wait3A_324] : memref<1x1000000xf32, #tpu.memory_space<hbm>> -> memref<1x1000000xf32, #tpu.memory_space<hbm>>
    %dma_wait3A_326 = tpu.memref_squeeze %dma_wait3A_325 : memref<1x1000000xf32, #tpu.memory_space<hbm>> -> memref<1000000xf32, #tpu.memory_space<hbm>>
    %dma_wait3A_327 = arith.constant 0 : i32
    %dma_wait3A_328 = tpu.memref_slice %dma_wait3A_326[%dma_wait3A_327] : memref<1000000xf32, #tpu.memory_space<hbm>> -> memref<1000000xf32, #tpu.memory_space<hbm>>
    tpu.wait_indirect_dma semaphore(%arg13 : memref<!tpu.dma_semaphore, #tpu.memory_space<semaphore_mem>>) src(%dma_wait3A_328 : memref<1000000xf32, #tpu.memory_space<hbm>>) dst(%dma_wait3A_320 : memref<128xf32, #tpu.memory_space<vmem>>)
    %dma_wait3A_329 = arith.constant 0 : i32
    %dma_wait3A_330 = arith.constant 2 : i32
    %dma_wait3A_331 = arith.constant 2 : i32
    %dma_wait3A_332 = arith.constant 0 : i32
    %dma_wait3A_333 = tpu.memref_slice %arg10[%dma_wait3A_331, %dma_wait3A_332] : memref<4x128xf32, #tpu.memory_space<vmem>> -> memref<1x128xf32, #tpu.memory_space<vmem>>
    %dma_wait3A_334 = tpu.memref_squeeze %dma_wait3A_333 : memref<1x128xf32, #tpu.memory_space<vmem>> -> memref<128xf32, #tpu.memory_space<vmem>>
    %dma_wait3A_335 = arith.constant 0 : i32
    %dma_wait3A_336 = tpu.memref_slice %arg8[%dma_wait3A_330, %dma_wait3A_335] : memref<4x128xi32, #tpu.memory_space<vmem>> -> memref<1x128xi32, #tpu.memory_space<vmem>>
    %dma_wait3A_337 = tpu.memref_squeeze %dma_wait3A_336 : memref<1x128xi32, #tpu.memory_space<vmem>> -> memref<128xi32, #tpu.memory_space<vmem>>
    %dma_wait3A_338 = arith.constant 0 : i32
    %dma_wait3A_339 = tpu.memref_slice %arg4[%dma_wait3A_329, %dma_wait3A_338] : memref<1x100000xf32, #tpu.memory_space<hbm>> -> memref<1x100000xf32, #tpu.memory_space<hbm>>
    %dma_wait3A_340 = tpu.memref_squeeze %dma_wait3A_339 : memref<1x100000xf32, #tpu.memory_space<hbm>> -> memref<100000xf32, #tpu.memory_space<hbm>>
    %dma_wait3A_341 = arith.constant 0 : i32
    %dma_wait3A_342 = tpu.memref_slice %dma_wait3A_340[%dma_wait3A_341] : memref<100000xf32, #tpu.memory_space<hbm>> -> memref<100000xf32, #tpu.memory_space<hbm>>
    tpu.wait_indirect_dma semaphore(%arg13 : memref<!tpu.dma_semaphore, #tpu.memory_space<semaphore_mem>>) src(%dma_wait3A_342 : memref<100000xf32, #tpu.memory_space<hbm>>) dst(%dma_wait3A_334 : memref<128xf32, #tpu.memory_space<vmem>>)
    %dma_wait3A_343 = arith.constant 0 : i32
    %dma_wait3A_344 = arith.constant 2 : i32
    %dma_wait3A_345 = arith.constant 2 : i32
    %dma_wait3A_346 = arith.constant 0 : i32
    %dma_wait3A_347 = tpu.memref_slice %arg11[%dma_wait3A_345, %dma_wait3A_346] : memref<4x128xf32, #tpu.memory_space<vmem>> -> memref<1x128xf32, #tpu.memory_space<vmem>>
    %dma_wait3A_348 = tpu.memref_squeeze %dma_wait3A_347 : memref<1x128xf32, #tpu.memory_space<vmem>> -> memref<128xf32, #tpu.memory_space<vmem>>
    %dma_wait3A_349 = arith.constant 0 : i32
    %dma_wait3A_350 = tpu.memref_slice %arg9[%dma_wait3A_344, %dma_wait3A_349] : memref<4x128xi32, #tpu.memory_space<vmem>> -> memref<1x128xi32, #tpu.memory_space<vmem>>
    %dma_wait3A_351 = tpu.memref_squeeze %dma_wait3A_350 : memref<1x128xi32, #tpu.memory_space<vmem>> -> memref<128xi32, #tpu.memory_space<vmem>>
    %dma_wait3A_352 = arith.constant 0 : i32
    %dma_wait3A_353 = tpu.memref_slice %arg5[%dma_wait3A_343, %dma_wait3A_352] : memref<1x1000000xf32, #tpu.memory_space<hbm>> -> memref<1x1000000xf32, #tpu.memory_space<hbm>>
    %dma_wait3A_354 = tpu.memref_squeeze %dma_wait3A_353 : memref<1x1000000xf32, #tpu.memory_space<hbm>> -> memref<1000000xf32, #tpu.memory_space<hbm>>
    %dma_wait3A_355 = arith.constant 0 : i32
    %dma_wait3A_356 = tpu.memref_slice %dma_wait3A_354[%dma_wait3A_355] : memref<1000000xf32, #tpu.memory_space<hbm>> -> memref<1000000xf32, #tpu.memory_space<hbm>>
    tpu.wait_indirect_dma semaphore(%arg13 : memref<!tpu.dma_semaphore, #tpu.memory_space<semaphore_mem>>) src(%dma_wait3A_356 : memref<1000000xf32, #tpu.memory_space<hbm>>) dst(%dma_wait3A_348 : memref<128xf32, #tpu.memory_space<vmem>>)
    %dma_wait3A_357 = arith.constant 0 : i32
    %dma_wait3A_358 = arith.constant 3 : i32
    %dma_wait3A_359 = arith.constant 3 : i32
    %dma_wait3A_360 = arith.constant 0 : i32
    %dma_wait3A_361 = tpu.memref_slice %arg10[%dma_wait3A_359, %dma_wait3A_360] : memref<4x128xf32, #tpu.memory_space<vmem>> -> memref<1x128xf32, #tpu.memory_space<vmem>>
    %dma_wait3A_362 = tpu.memref_squeeze %dma_wait3A_361 : memref<1x128xf32, #tpu.memory_space<vmem>> -> memref<128xf32, #tpu.memory_space<vmem>>
    %dma_wait3A_363 = arith.constant 0 : i32
    %dma_wait3A_364 = tpu.memref_slice %arg8[%dma_wait3A_358, %dma_wait3A_363] : memref<4x128xi32, #tpu.memory_space<vmem>> -> memref<1x128xi32, #tpu.memory_space<vmem>>
    %dma_wait3A_365 = tpu.memref_squeeze %dma_wait3A_364 : memref<1x128xi32, #tpu.memory_space<vmem>> -> memref<128xi32, #tpu.memory_space<vmem>>
    %dma_wait3A_366 = arith.constant 0 : i32
    %dma_wait3A_367 = tpu.memref_slice %arg4[%dma_wait3A_357, %dma_wait3A_366] : memref<1x100000xf32, #tpu.memory_space<hbm>> -> memref<1x100000xf32, #tpu.memory_space<hbm>>
    %dma_wait3A_368 = tpu.memref_squeeze %dma_wait3A_367 : memref<1x100000xf32, #tpu.memory_space<hbm>> -> memref<100000xf32, #tpu.memory_space<hbm>>
    %dma_wait3A_369 = arith.constant 0 : i32
    %dma_wait3A_370 = tpu.memref_slice %dma_wait3A_368[%dma_wait3A_369] : memref<100000xf32, #tpu.memory_space<hbm>> -> memref<100000xf32, #tpu.memory_space<hbm>>
    tpu.wait_indirect_dma semaphore(%arg13 : memref<!tpu.dma_semaphore, #tpu.memory_space<semaphore_mem>>) src(%dma_wait3A_370 : memref<100000xf32, #tpu.memory_space<hbm>>) dst(%dma_wait3A_362 : memref<128xf32, #tpu.memory_space<vmem>>)
    %dma_wait3A_371 = arith.constant 0 : i32
    %dma_wait3A_372 = arith.constant 3 : i32
    %dma_wait3A_373 = arith.constant 3 : i32
    %dma_wait3A_374 = arith.constant 0 : i32
    %dma_wait3A_375 = tpu.memref_slice %arg11[%dma_wait3A_373, %dma_wait3A_374] : memref<4x128xf32, #tpu.memory_space<vmem>> -> memref<1x128xf32, #tpu.memory_space<vmem>>
    %dma_wait3A_376 = tpu.memref_squeeze %dma_wait3A_375 : memref<1x128xf32, #tpu.memory_space<vmem>> -> memref<128xf32, #tpu.memory_space<vmem>>
    %dma_wait3A_377 = arith.constant 0 : i32
    %dma_wait3A_378 = tpu.memref_slice %arg9[%dma_wait3A_372, %dma_wait3A_377] : memref<4x128xi32, #tpu.memory_space<vmem>> -> memref<1x128xi32, #tpu.memory_space<vmem>>
    %dma_wait3A_379 = tpu.memref_squeeze %dma_wait3A_378 : memref<1x128xi32, #tpu.memory_space<vmem>> -> memref<128xi32, #tpu.memory_space<vmem>>
    %dma_wait3A_380 = arith.constant 0 : i32
    %dma_wait3A_381 = tpu.memref_slice %arg5[%dma_wait3A_371, %dma_wait3A_380] : memref<1x1000000xf32, #tpu.memory_space<hbm>> -> memref<1x1000000xf32, #tpu.memory_space<hbm>>
    %dma_wait3A_382 = tpu.memref_squeeze %dma_wait3A_381 : memref<1x1000000xf32, #tpu.memory_space<hbm>> -> memref<1000000xf32, #tpu.memory_space<hbm>>
    %dma_wait3A_383 = arith.constant 0 : i32
    %dma_wait3A_384 = tpu.memref_slice %dma_wait3A_382[%dma_wait3A_383] : memref<1000000xf32, #tpu.memory_space<hbm>> -> memref<1000000xf32, #tpu.memory_space<hbm>>
    tpu.wait_indirect_dma semaphore(%arg13 : memref<!tpu.dma_semaphore, #tpu.memory_space<semaphore_mem>>) src(%dma_wait3A_384 : memref<1000000xf32, #tpu.memory_space<hbm>>) dst(%dma_wait3A_376 : memref<128xf32, #tpu.memory_space<vmem>>)
    %add3A_385 = arith.constant 0 : i32
    %add3A_386 = arith.addi %mul3A_2, %add3A_385 : i32
    %dma_start3A_387 = arith.constant 0 : i32
    %dma_start3A_388 = arith.constant 0 : i32
    %dma_start3A_389 = tpu.memref_slice %arg10[%dma_start3A_387, %dma_start3A_388] : memref<4x128xf32, #tpu.memory_space<vmem>> -> memref<1x128xf32, #tpu.memory_space<vmem>>
    %dma_start3A_390 = tpu.memref_squeeze %dma_start3A_389 : memref<1x128xf32, #tpu.memory_space<vmem>> -> memref<128xf32, #tpu.memory_space<vmem>>
    %dma_start3A_391 = tpu.memref_slice %arg6[%add3A_386] : memref<16384xf32, #tpu.memory_space<hbm>> -> memref<128xf32, #tpu.memory_space<hbm>>
    %dma_start3A_392 = tpu.memref_slice %arg6[%add3A_386] : memref<16384xf32, #tpu.memory_space<hbm>> -> memref<128xf32, #tpu.memory_space<hbm>>
    %dma_start3A_393 = arith.constant 0 : i32
    %dma_start3A_394 = tpu.memref_slice %arg10[%dma_start3A_387, %dma_start3A_393] : memref<4x128xf32, #tpu.memory_space<vmem>> -> memref<1x128xf32, #tpu.memory_space<vmem>>
    %dma_start3A_395 = tpu.memref_squeeze %dma_start3A_394 : memref<1x128xf32, #tpu.memory_space<vmem>> -> memref<128xf32, #tpu.memory_space<vmem>>
    tpu.enqueue_dma source(%dma_start3A_395 : memref<128xf32, #tpu.memory_space<vmem>>) target(%dma_start3A_392 : memref<128xf32, #tpu.memory_space<hbm>>) target_semaphore(%arg12 : memref<!tpu.dma_semaphore, #tpu.memory_space<semaphore_mem>>)
    %add3A_396 = arith.constant 0 : i32
    %add3A_397 = arith.addi %mul3A_2, %add3A_396 : i32
    %dma_start3A_398 = arith.constant 0 : i32
    %dma_start3A_399 = arith.constant 0 : i32
    %dma_start3A_400 = tpu.memref_slice %arg11[%dma_start3A_398, %dma_start3A_399] : memref<4x128xf32, #tpu.memory_space<vmem>> -> memref<1x128xf32, #tpu.memory_space<vmem>>
    %dma_start3A_401 = tpu.memref_squeeze %dma_start3A_400 : memref<1x128xf32, #tpu.memory_space<vmem>> -> memref<128xf32, #tpu.memory_space<vmem>>
    %dma_start3A_402 = tpu.memref_slice %arg7[%add3A_397] : memref<16384xf32, #tpu.memory_space<hbm>> -> memref<128xf32, #tpu.memory_space<hbm>>
    %dma_start3A_403 = tpu.memref_slice %arg7[%add3A_397] : memref<16384xf32, #tpu.memory_space<hbm>> -> memref<128xf32, #tpu.memory_space<hbm>>
    %dma_start3A_404 = arith.constant 0 : i32
    %dma_start3A_405 = tpu.memref_slice %arg11[%dma_start3A_398, %dma_start3A_404] : memref<4x128xf32, #tpu.memory_space<vmem>> -> memref<1x128xf32, #tpu.memory_space<vmem>>
    %dma_start3A_406 = tpu.memref_squeeze %dma_start3A_405 : memref<1x128xf32, #tpu.memory_space<vmem>> -> memref<128xf32, #tpu.memory_space<vmem>>
    tpu.enqueue_dma source(%dma_start3A_406 : memref<128xf32, #tpu.memory_space<vmem>>) target(%dma_start3A_403 : memref<128xf32, #tpu.memory_space<hbm>>) target_semaphore(%arg12 : memref<!tpu.dma_semaphore, #tpu.memory_space<semaphore_mem>>)
    %add3A_407 = arith.constant 128 : i32
    %add3A_408 = arith.addi %mul3A_2, %add3A_407 : i32
    %dma_start3A_409 = arith.constant 1 : i32
    %dma_start3A_410 = arith.constant 0 : i32
    %dma_start3A_411 = tpu.memref_slice %arg10[%dma_start3A_409, %dma_start3A_410] : memref<4x128xf32, #tpu.memory_space<vmem>> -> memref<1x128xf32, #tpu.memory_space<vmem>>
    %dma_start3A_412 = tpu.memref_squeeze %dma_start3A_411 : memref<1x128xf32, #tpu.memory_space<vmem>> -> memref<128xf32, #tpu.memory_space<vmem>>
    %dma_start3A_413 = tpu.memref_slice %arg6[%add3A_408] : memref<16384xf32, #tpu.memory_space<hbm>> -> memref<128xf32, #tpu.memory_space<hbm>>
    %dma_start3A_414 = tpu.memref_slice %arg6[%add3A_408] : memref<16384xf32, #tpu.memory_space<hbm>> -> memref<128xf32, #tpu.memory_space<hbm>>
    %dma_start3A_415 = arith.constant 0 : i32
    %dma_start3A_416 = tpu.memref_slice %arg10[%dma_start3A_409, %dma_start3A_415] : memref<4x128xf32, #tpu.memory_space<vmem>> -> memref<1x128xf32, #tpu.memory_space<vmem>>
    %dma_start3A_417 = tpu.memref_squeeze %dma_start3A_416 : memref<1x128xf32, #tpu.memory_space<vmem>> -> memref<128xf32, #tpu.memory_space<vmem>>
    tpu.enqueue_dma source(%dma_start3A_417 : memref<128xf32, #tpu.memory_space<vmem>>) target(%dma_start3A_414 : memref<128xf32, #tpu.memory_space<hbm>>) target_semaphore(%arg12 : memref<!tpu.dma_semaphore, #tpu.memory_space<semaphore_mem>>)
    %add3A_418 = arith.constant 128 : i32
    %add3A_419 = arith.addi %mul3A_2, %add3A_418 : i32
    %dma_start3A_420 = arith.constant 1 : i32
    %dma_start3A_421 = arith.constant 0 : i32
    %dma_start3A_422 = tpu.memref_slice %arg11[%dma_start3A_420, %dma_start3A_421] : memref<4x128xf32, #tpu.memory_space<vmem>> -> memref<1x128xf32, #tpu.memory_space<vmem>>
    %dma_start3A_423 = tpu.memref_squeeze %dma_start3A_422 : memref<1x128xf32, #tpu.memory_space<vmem>> -> memref<128xf32, #tpu.memory_space<vmem>>
    %dma_start3A_424 = tpu.memref_slice %arg7[%add3A_419] : memref<16384xf32, #tpu.memory_space<hbm>> -> memref<128xf32, #tpu.memory_space<hbm>>
    %dma_start3A_425 = tpu.memref_slice %arg7[%add3A_419] : memref<16384xf32, #tpu.memory_space<hbm>> -> memref<128xf32, #tpu.memory_space<hbm>>
    %dma_start3A_426 = arith.constant 0 : i32
    %dma_start3A_427 = tpu.memref_slice %arg11[%dma_start3A_420, %dma_start3A_426] : memref<4x128xf32, #tpu.memory_space<vmem>> -> memref<1x128xf32, #tpu.memory_space<vmem>>
    %dma_start3A_428 = tpu.memref_squeeze %dma_start3A_427 : memref<1x128xf32, #tpu.memory_space<vmem>> -> memref<128xf32, #tpu.memory_space<vmem>>
    tpu.enqueue_dma source(%dma_start3A_428 : memref<128xf32, #tpu.memory_space<vmem>>) target(%dma_start3A_425 : memref<128xf32, #tpu.memory_space<hbm>>) target_semaphore(%arg12 : memref<!tpu.dma_semaphore, #tpu.memory_space<semaphore_mem>>)
    %add3A_429 = arith.constant 256 : i32
    %add3A_430 = arith.addi %mul3A_2, %add3A_429 : i32
    %dma_start3A_431 = arith.constant 2 : i32
    %dma_start3A_432 = arith.constant 0 : i32
    %dma_start3A_433 = tpu.memref_slice %arg10[%dma_start3A_431, %dma_start3A_432] : memref<4x128xf32, #tpu.memory_space<vmem>> -> memref<1x128xf32, #tpu.memory_space<vmem>>
    %dma_start3A_434 = tpu.memref_squeeze %dma_start3A_433 : memref<1x128xf32, #tpu.memory_space<vmem>> -> memref<128xf32, #tpu.memory_space<vmem>>
    %dma_start3A_435 = tpu.memref_slice %arg6[%add3A_430] : memref<16384xf32, #tpu.memory_space<hbm>> -> memref<128xf32, #tpu.memory_space<hbm>>
    %dma_start3A_436 = tpu.memref_slice %arg6[%add3A_430] : memref<16384xf32, #tpu.memory_space<hbm>> -> memref<128xf32, #tpu.memory_space<hbm>>
    %dma_start3A_437 = arith.constant 0 : i32
    %dma_start3A_438 = tpu.memref_slice %arg10[%dma_start3A_431, %dma_start3A_437] : memref<4x128xf32, #tpu.memory_space<vmem>> -> memref<1x128xf32, #tpu.memory_space<vmem>>
    %dma_start3A_439 = tpu.memref_squeeze %dma_start3A_438 : memref<1x128xf32, #tpu.memory_space<vmem>> -> memref<128xf32, #tpu.memory_space<vmem>>
    tpu.enqueue_dma source(%dma_start3A_439 : memref<128xf32, #tpu.memory_space<vmem>>) target(%dma_start3A_436 : memref<128xf32, #tpu.memory_space<hbm>>) target_semaphore(%arg12 : memref<!tpu.dma_semaphore, #tpu.memory_space<semaphore_mem>>)
    %add3A_440 = arith.constant 256 : i32
    %add3A_441 = arith.addi %mul3A_2, %add3A_440 : i32
    %dma_start3A_442 = arith.constant 2 : i32
    %dma_start3A_443 = arith.constant 0 : i32
    %dma_start3A_444 = tpu.memref_slice %arg11[%dma_start3A_442, %dma_start3A_443] : memref<4x128xf32, #tpu.memory_space<vmem>> -> memref<1x128xf32, #tpu.memory_space<vmem>>
    %dma_start3A_445 = tpu.memref_squeeze %dma_start3A_444 : memref<1x128xf32, #tpu.memory_space<vmem>> -> memref<128xf32, #tpu.memory_space<vmem>>
    %dma_start3A_446 = tpu.memref_slice %arg7[%add3A_441] : memref<16384xf32, #tpu.memory_space<hbm>> -> memref<128xf32, #tpu.memory_space<hbm>>
    %dma_start3A_447 = tpu.memref_slice %arg7[%add3A_441] : memref<16384xf32, #tpu.memory_space<hbm>> -> memref<128xf32, #tpu.memory_space<hbm>>
    %dma_start3A_448 = arith.constant 0 : i32
    %dma_start3A_449 = tpu.memref_slice %arg11[%dma_start3A_442, %dma_start3A_448] : memref<4x128xf32, #tpu.memory_space<vmem>> -> memref<1x128xf32, #tpu.memory_space<vmem>>
    %dma_start3A_450 = tpu.memref_squeeze %dma_start3A_449 : memref<1x128xf32, #tpu.memory_space<vmem>> -> memref<128xf32, #tpu.memory_space<vmem>>
    tpu.enqueue_dma source(%dma_start3A_450 : memref<128xf32, #tpu.memory_space<vmem>>) target(%dma_start3A_447 : memref<128xf32, #tpu.memory_space<hbm>>) target_semaphore(%arg12 : memref<!tpu.dma_semaphore, #tpu.memory_space<semaphore_mem>>)
    %add3A_451 = arith.constant 384 : i32
    %add3A_452 = arith.addi %mul3A_2, %add3A_451 : i32
    %dma_start3A_453 = arith.constant 3 : i32
    %dma_start3A_454 = arith.constant 0 : i32
    %dma_start3A_455 = tpu.memref_slice %arg10[%dma_start3A_453, %dma_start3A_454] : memref<4x128xf32, #tpu.memory_space<vmem>> -> memref<1x128xf32, #tpu.memory_space<vmem>>
    %dma_start3A_456 = tpu.memref_squeeze %dma_start3A_455 : memref<1x128xf32, #tpu.memory_space<vmem>> -> memref<128xf32, #tpu.memory_space<vmem>>
    %dma_start3A_457 = tpu.memref_slice %arg6[%add3A_452] : memref<16384xf32, #tpu.memory_space<hbm>> -> memref<128xf32, #tpu.memory_space<hbm>>
    %dma_start3A_458 = tpu.memref_slice %arg6[%add3A_452] : memref<16384xf32, #tpu.memory_space<hbm>> -> memref<128xf32, #tpu.memory_space<hbm>>
    %dma_start3A_459 = arith.constant 0 : i32
    %dma_start3A_460 = tpu.memref_slice %arg10[%dma_start3A_453, %dma_start3A_459] : memref<4x128xf32, #tpu.memory_space<vmem>> -> memref<1x128xf32, #tpu.memory_space<vmem>>
    %dma_start3A_461 = tpu.memref_squeeze %dma_start3A_460 : memref<1x128xf32, #tpu.memory_space<vmem>> -> memref<128xf32, #tpu.memory_space<vmem>>
    tpu.enqueue_dma source(%dma_start3A_461 : memref<128xf32, #tpu.memory_space<vmem>>) target(%dma_start3A_458 : memref<128xf32, #tpu.memory_space<hbm>>) target_semaphore(%arg12 : memref<!tpu.dma_semaphore, #tpu.memory_space<semaphore_mem>>)
    %add3A_462 = arith.constant 384 : i32
    %add3A_463 = arith.addi %mul3A_2, %add3A_462 : i32
    %dma_start3A_464 = arith.constant 3 : i32
    %dma_start3A_465 = arith.constant 0 : i32
    %dma_start3A_466 = tpu.memref_slice %arg11[%dma_start3A_464, %dma_start3A_465] : memref<4x128xf32, #tpu.memory_space<vmem>> -> memref<1x128xf32, #tpu.memory_space<vmem>>
    %dma_start3A_467 = tpu.memref_squeeze %dma_start3A_466 : memref<1x128xf32, #tpu.memory_space<vmem>> -> memref<128xf32, #tpu.memory_space<vmem>>
    %dma_start3A_468 = tpu.memref_slice %arg7[%add3A_463] : memref<16384xf32, #tpu.memory_space<hbm>> -> memref<128xf32, #tpu.memory_space<hbm>>
    %dma_start3A_469 = tpu.memref_slice %arg7[%add3A_463] : memref<16384xf32, #tpu.memory_space<hbm>> -> memref<128xf32, #tpu.memory_space<hbm>>
    %dma_start3A_470 = arith.constant 0 : i32
    %dma_start3A_471 = tpu.memref_slice %arg11[%dma_start3A_464, %dma_start3A_470] : memref<4x128xf32, #tpu.memory_space<vmem>> -> memref<1x128xf32, #tpu.memory_space<vmem>>
    %dma_start3A_472 = tpu.memref_squeeze %dma_start3A_471 : memref<1x128xf32, #tpu.memory_space<vmem>> -> memref<128xf32, #tpu.memory_space<vmem>>
    tpu.enqueue_dma source(%dma_start3A_472 : memref<128xf32, #tpu.memory_space<vmem>>) target(%dma_start3A_469 : memref<128xf32, #tpu.memory_space<hbm>>) target_semaphore(%arg12 : memref<!tpu.dma_semaphore, #tpu.memory_space<semaphore_mem>>)
    %dma_wait3A_473 = arith.constant 0 : i32
    %dma_wait3A_474 = arith.constant 0 : i32
    %dma_wait3A_475 = tpu.memref_slice %arg10[%dma_wait3A_473, %dma_wait3A_474] : memref<4x128xf32, #tpu.memory_space<vmem>> -> memref<1x128xf32, #tpu.memory_space<vmem>>
    %dma_wait3A_476 = tpu.memref_squeeze %dma_wait3A_475 : memref<1x128xf32, #tpu.memory_space<vmem>> -> memref<128xf32, #tpu.memory_space<vmem>>
    %dma_wait3A_477 = tpu.memref_slice %arg6[%add3A_386] : memref<16384xf32, #tpu.memory_space<hbm>> -> memref<128xf32, #tpu.memory_space<hbm>>
    %dma_wait3A_478 = tpu.memref_slice %arg6[%add3A_386] : memref<16384xf32, #tpu.memory_space<hbm>> -> memref<128xf32, #tpu.memory_space<hbm>>
    %dma_wait3A_479 = arith.constant 0 : i32
    %dma_wait3A_480 = tpu.memref_slice %arg10[%dma_wait3A_473, %dma_wait3A_479] : memref<4x128xf32, #tpu.memory_space<vmem>> -> memref<1x128xf32, #tpu.memory_space<vmem>>
    %dma_wait3A_481 = tpu.memref_squeeze %dma_wait3A_480 : memref<1x128xf32, #tpu.memory_space<vmem>> -> memref<128xf32, #tpu.memory_space<vmem>>
    tpu.wait_dma2 semaphore(%arg12 : memref<!tpu.dma_semaphore, #tpu.memory_space<semaphore_mem>>) src(%dma_wait3A_481 : memref<128xf32, #tpu.memory_space<vmem>>) dst(%dma_wait3A_478 : memref<128xf32, #tpu.memory_space<hbm>>)
    %dma_wait3A_482 = arith.constant 0 : i32
    %dma_wait3A_483 = arith.constant 0 : i32
    %dma_wait3A_484 = tpu.memref_slice %arg11[%dma_wait3A_482, %dma_wait3A_483] : memref<4x128xf32, #tpu.memory_space<vmem>> -> memref<1x128xf32, #tpu.memory_space<vmem>>
    %dma_wait3A_485 = tpu.memref_squeeze %dma_wait3A_484 : memref<1x128xf32, #tpu.memory_space<vmem>> -> memref<128xf32, #tpu.memory_space<vmem>>
    %dma_wait3A_486 = tpu.memref_slice %arg7[%add3A_397] : memref<16384xf32, #tpu.memory_space<hbm>> -> memref<128xf32, #tpu.memory_space<hbm>>
    %dma_wait3A_487 = tpu.memref_slice %arg7[%add3A_397] : memref<16384xf32, #tpu.memory_space<hbm>> -> memref<128xf32, #tpu.memory_space<hbm>>
    %dma_wait3A_488 = arith.constant 0 : i32
    %dma_wait3A_489 = tpu.memref_slice %arg11[%dma_wait3A_482, %dma_wait3A_488] : memref<4x128xf32, #tpu.memory_space<vmem>> -> memref<1x128xf32, #tpu.memory_space<vmem>>
    %dma_wait3A_490 = tpu.memref_squeeze %dma_wait3A_489 : memref<1x128xf32, #tpu.memory_space<vmem>> -> memref<128xf32, #tpu.memory_space<vmem>>
    tpu.wait_dma2 semaphore(%arg12 : memref<!tpu.dma_semaphore, #tpu.memory_space<semaphore_mem>>) src(%dma_wait3A_490 : memref<128xf32, #tpu.memory_space<vmem>>) dst(%dma_wait3A_487 : memref<128xf32, #tpu.memory_space<hbm>>)
    %dma_wait3A_491 = arith.constant 1 : i32
    %dma_wait3A_492 = arith.constant 0 : i32
    %dma_wait3A_493 = tpu.memref_slice %arg10[%dma_wait3A_491, %dma_wait3A_492] : memref<4x128xf32, #tpu.memory_space<vmem>> -> memref<1x128xf32, #tpu.memory_space<vmem>>
    %dma_wait3A_494 = tpu.memref_squeeze %dma_wait3A_493 : memref<1x128xf32, #tpu.memory_space<vmem>> -> memref<128xf32, #tpu.memory_space<vmem>>
    %dma_wait3A_495 = tpu.memref_slice %arg6[%add3A_408] : memref<16384xf32, #tpu.memory_space<hbm>> -> memref<128xf32, #tpu.memory_space<hbm>>
    %dma_wait3A_496 = tpu.memref_slice %arg6[%add3A_408] : memref<16384xf32, #tpu.memory_space<hbm>> -> memref<128xf32, #tpu.memory_space<hbm>>
    %dma_wait3A_497 = arith.constant 0 : i32
    %dma_wait3A_498 = tpu.memref_slice %arg10[%dma_wait3A_491, %dma_wait3A_497] : memref<4x128xf32, #tpu.memory_space<vmem>> -> memref<1x128xf32, #tpu.memory_space<vmem>>
    %dma_wait3A_499 = tpu.memref_squeeze %dma_wait3A_498 : memref<1x128xf32, #tpu.memory_space<vmem>> -> memref<128xf32, #tpu.memory_space<vmem>>
    tpu.wait_dma2 semaphore(%arg12 : memref<!tpu.dma_semaphore, #tpu.memory_space<semaphore_mem>>) src(%dma_wait3A_499 : memref<128xf32, #tpu.memory_space<vmem>>) dst(%dma_wait3A_496 : memref<128xf32, #tpu.memory_space<hbm>>)
    %dma_wait3A_500 = arith.constant 1 : i32
    %dma_wait3A_501 = arith.constant 0 : i32
    %dma_wait3A_502 = tpu.memref_slice %arg11[%dma_wait3A_500, %dma_wait3A_501] : memref<4x128xf32, #tpu.memory_space<vmem>> -> memref<1x128xf32, #tpu.memory_space<vmem>>
    %dma_wait3A_503 = tpu.memref_squeeze %dma_wait3A_502 : memref<1x128xf32, #tpu.memory_space<vmem>> -> memref<128xf32, #tpu.memory_space<vmem>>
    %dma_wait3A_504 = tpu.memref_slice %arg7[%add3A_419] : memref<16384xf32, #tpu.memory_space<hbm>> -> memref<128xf32, #tpu.memory_space<hbm>>
    %dma_wait3A_505 = tpu.memref_slice %arg7[%add3A_419] : memref<16384xf32, #tpu.memory_space<hbm>> -> memref<128xf32, #tpu.memory_space<hbm>>
    %dma_wait3A_506 = arith.constant 0 : i32
    %dma_wait3A_507 = tpu.memref_slice %arg11[%dma_wait3A_500, %dma_wait3A_506] : memref<4x128xf32, #tpu.memory_space<vmem>> -> memref<1x128xf32, #tpu.memory_space<vmem>>
    %dma_wait3A_508 = tpu.memref_squeeze %dma_wait3A_507 : memref<1x128xf32, #tpu.memory_space<vmem>> -> memref<128xf32, #tpu.memory_space<vmem>>
    tpu.wait_dma2 semaphore(%arg12 : memref<!tpu.dma_semaphore, #tpu.memory_space<semaphore_mem>>) src(%dma_wait3A_508 : memref<128xf32, #tpu.memory_space<vmem>>) dst(%dma_wait3A_505 : memref<128xf32, #tpu.memory_space<hbm>>)
    %dma_wait3A_509 = arith.constant 2 : i32
    %dma_wait3A_510 = arith.constant 0 : i32
    %dma_wait3A_511 = tpu.memref_slice %arg10[%dma_wait3A_509, %dma_wait3A_510] : memref<4x128xf32, #tpu.memory_space<vmem>> -> memref<1x128xf32, #tpu.memory_space<vmem>>
    %dma_wait3A_512 = tpu.memref_squeeze %dma_wait3A_511 : memref<1x128xf32, #tpu.memory_space<vmem>> -> memref<128xf32, #tpu.memory_space<vmem>>
    %dma_wait3A_513 = tpu.memref_slice %arg6[%add3A_430] : memref<16384xf32, #tpu.memory_space<hbm>> -> memref<128xf32, #tpu.memory_space<hbm>>
    %dma_wait3A_514 = tpu.memref_slice %arg6[%add3A_430] : memref<16384xf32, #tpu.memory_space<hbm>> -> memref<128xf32, #tpu.memory_space<hbm>>
    %dma_wait3A_515 = arith.constant 0 : i32
    %dma_wait3A_516 = tpu.memref_slice %arg10[%dma_wait3A_509, %dma_wait3A_515] : memref<4x128xf32, #tpu.memory_space<vmem>> -> memref<1x128xf32, #tpu.memory_space<vmem>>
    %dma_wait3A_517 = tpu.memref_squeeze %dma_wait3A_516 : memref<1x128xf32, #tpu.memory_space<vmem>> -> memref<128xf32, #tpu.memory_space<vmem>>
    tpu.wait_dma2 semaphore(%arg12 : memref<!tpu.dma_semaphore, #tpu.memory_space<semaphore_mem>>) src(%dma_wait3A_517 : memref<128xf32, #tpu.memory_space<vmem>>) dst(%dma_wait3A_514 : memref<128xf32, #tpu.memory_space<hbm>>)
    %dma_wait3A_518 = arith.constant 2 : i32
    %dma_wait3A_519 = arith.constant 0 : i32
    %dma_wait3A_520 = tpu.memref_slice %arg11[%dma_wait3A_518, %dma_wait3A_519] : memref<4x128xf32, #tpu.memory_space<vmem>> -> memref<1x128xf32, #tpu.memory_space<vmem>>
    %dma_wait3A_521 = tpu.memref_squeeze %dma_wait3A_520 : memref<1x128xf32, #tpu.memory_space<vmem>> -> memref<128xf32, #tpu.memory_space<vmem>>
    %dma_wait3A_522 = tpu.memref_slice %arg7[%add3A_441] : memref<16384xf32, #tpu.memory_space<hbm>> -> memref<128xf32, #tpu.memory_space<hbm>>
    %dma_wait3A_523 = tpu.memref_slice %arg7[%add3A_441] : memref<16384xf32, #tpu.memory_space<hbm>> -> memref<128xf32, #tpu.memory_space<hbm>>
    %dma_wait3A_524 = arith.constant 0 : i32
    %dma_wait3A_525 = tpu.memref_slice %arg11[%dma_wait3A_518, %dma_wait3A_524] : memref<4x128xf32, #tpu.memory_space<vmem>> -> memref<1x128xf32, #tpu.memory_space<vmem>>
    %dma_wait3A_526 = tpu.memref_squeeze %dma_wait3A_525 : memref<1x128xf32, #tpu.memory_space<vmem>> -> memref<128xf32, #tpu.memory_space<vmem>>
    tpu.wait_dma2 semaphore(%arg12 : memref<!tpu.dma_semaphore, #tpu.memory_space<semaphore_mem>>) src(%dma_wait3A_526 : memref<128xf32, #tpu.memory_space<vmem>>) dst(%dma_wait3A_523 : memref<128xf32, #tpu.memory_space<hbm>>)
    %dma_wait3A_527 = arith.constant 3 : i32
    %dma_wait3A_528 = arith.constant 0 : i32
    %dma_wait3A_529 = tpu.memref_slice %arg10[%dma_wait3A_527, %dma_wait3A_528] : memref<4x128xf32, #tpu.memory_space<vmem>> -> memref<1x128xf32, #tpu.memory_space<vmem>>
    %dma_wait3A_530 = tpu.memref_squeeze %dma_wait3A_529 : memref<1x128xf32, #tpu.memory_space<vmem>> -> memref<128xf32, #tpu.memory_space<vmem>>
    %dma_wait3A_531 = tpu.memref_slice %arg6[%add3A_452] : memref<16384xf32, #tpu.memory_space<hbm>> -> memref<128xf32, #tpu.memory_space<hbm>>
    %dma_wait3A_532 = tpu.memref_slice %arg6[%add3A_452] : memref<16384xf32, #tpu.memory_space<hbm>> -> memref<128xf32, #tpu.memory_space<hbm>>
    %dma_wait3A_533 = arith.constant 0 : i32
    %dma_wait3A_534 = tpu.memref_slice %arg10[%dma_wait3A_527, %dma_wait3A_533] : memref<4x128xf32, #tpu.memory_space<vmem>> -> memref<1x128xf32, #tpu.memory_space<vmem>>
    %dma_wait3A_535 = tpu.memref_squeeze %dma_wait3A_534 : memref<1x128xf32, #tpu.memory_space<vmem>> -> memref<128xf32, #tpu.memory_space<vmem>>
    tpu.wait_dma2 semaphore(%arg12 : memref<!tpu.dma_semaphore, #tpu.memory_space<semaphore_mem>>) src(%dma_wait3A_535 : memref<128xf32, #tpu.memory_space<vmem>>) dst(%dma_wait3A_532 : memref<128xf32, #tpu.memory_space<hbm>>)
    %dma_wait3A_536 = arith.constant 3 : i32
    %dma_wait3A_537 = arith.constant 0 : i32
    %dma_wait3A_538 = tpu.memref_slice %arg11[%dma_wait3A_536, %dma_wait3A_537] : memref<4x128xf32, #tpu.memory_space<vmem>> -> memref<1x128xf32, #tpu.memory_space<vmem>>
    %dma_wait3A_539 = tpu.memref_squeeze %dma_wait3A_538 : memref<1x128xf32, #tpu.memory_space<vmem>> -> memref<128xf32, #tpu.memory_space<vmem>>
    %dma_wait3A_540 = tpu.memref_slice %arg7[%add3A_463] : memref<16384xf32, #tpu.memory_space<hbm>> -> memref<128xf32, #tpu.memory_space<hbm>>
    %dma_wait3A_541 = tpu.memref_slice %arg7[%add3A_463] : memref<16384xf32, #tpu.memory_space<hbm>> -> memref<128xf32, #tpu.memory_space<hbm>>
    %dma_wait3A_542 = arith.constant 0 : i32
    %dma_wait3A_543 = tpu.memref_slice %arg11[%dma_wait3A_536, %dma_wait3A_542] : memref<4x128xf32, #tpu.memory_space<vmem>> -> memref<1x128xf32, #tpu.memory_space<vmem>>
    %dma_wait3A_544 = tpu.memref_squeeze %dma_wait3A_543 : memref<1x128xf32, #tpu.memory_space<vmem>> -> memref<128xf32, #tpu.memory_space<vmem>>
    tpu.wait_dma2 semaphore(%arg12 : memref<!tpu.dma_semaphore, #tpu.memory_space<semaphore_mem>>) src(%dma_wait3A_544 : memref<128xf32, #tpu.memory_space<vmem>>) dst(%dma_wait3A_541 : memref<128xf32, #tpu.memory_space<hbm>>)
    return
  }
}

module attributes {stable_mosaic.version = 14 : i64} {
  func.func @_matvec_body(%arg0: i32, %arg1: memref<130x8192xf32, #tpu.memory_space<vmem>>, %arg2: memref<1x130xf32, #tpu.memory_space<vmem>>, %arg3: memref<8192xf32, #tpu.memory_space<vmem>>) attributes {dimension_semantics = [#tpu.dimension_semantics<arbitrary>], iteration_bounds = array<i64: 2>, scalar_prefetch = 0 : i64, scratch_operands = 0 : i64, tpu.core_type = #tpu.core_type<tc>, window_params = [{transform_indices = @transform_0, window_bounds = array<i64: 130, 8192>}, {pipeline_mode = #tpu.pipeline_mode<synchronous>, transform_indices = @transform_1, window_bounds = array<i64: 1, 130>}, {transform_indices = @transform_2, window_bounds = array<i64: 8192>}]} {
    %get3A = arith.constant 0 : index
    %get3A_0 = arith.constant 0 : index
    %get3A_1 = vector.load %arg1[%get3A, %get3A_0] : memref<130x8192xf32, #tpu.memory_space<vmem>>, vector<130x8192xf32>
    %get3A_2 = arith.constant 0 : index
    %get3A_3 = arith.constant 0 : index
    %get3A_4 = vector.load %arg2[%get3A_2, %get3A_3] : memref<1x130xf32, #tpu.memory_space<vmem>>, vector<1x130xf32>
    %dot_general3A = arith.constant dense<0.000000e+00> : vector<1x8192xf32>
    %dot_general3A_5 = tpu.matmul %get3A_4, %get3A_1, %dot_general3A {dimension_numbers = #tpu.dot_dimension_numbers<[1], [0], [0], [1], [0, 0, 1, 1], [], []>, transpose_lhs_hint = false} : vector<1x130xf32>, vector<130x8192xf32>, vector<1x8192xf32> -> vector<1x8192xf32>
    %reshape3A = vector.shape_cast %dot_general3A_5 : vector<1x8192xf32> to vector<8192xf32>
    %swap3A = arith.constant 0 : index
    %swap3A_6 = vector.load %arg3[%swap3A] : memref<8192xf32, #tpu.memory_space<vmem>>, vector<8192xf32>
    tpu.vector_store %arg3[%swap3A], %reshape3A {strides = array<i32>} : memref<8192xf32, #tpu.memory_space<vmem>>, vector<8192xf32>,
    return
  }
  func.func @transform_0(%arg0: i32) -> (i32, i32) {
    %c0_i32 = arith.constant 0 : i32
    %c0_i32_0 = arith.constant 0 : i32
    return %c0_i32, %arg0 : i32, i32
  }
  func.func @transform_1(%arg0: i32) -> (i32, i32) {
    %c0_i32 = arith.constant 0 : i32
    %c0_i32_0 = arith.constant 0 : i32
    %c0_i32_1 = arith.constant 0 : i32
    return %c0_i32, %c0_i32_0 : i32, i32
  }
  func.func @transform_2(%arg0: i32) -> i32 {
    %c0_i32 = arith.constant 0 : i32
    return %arg0 : i32
  }
}

module attributes {stable_mosaic.version = 14 : i64} {
  func.func @_combine_body(%arg0: memref<16384xf32, #tpu.memory_space<vmem>>, %arg1: memref<16384xf32, #tpu.memory_space<vmem>>, %arg2: memref<16384xf32, #tpu.memory_space<vmem>>, %arg3: memref<1xf32, #tpu.memory_space<smem>>, %arg4: memref<16384xf32, #tpu.memory_space<vmem>>) attributes {dimension_semantics = [], scalar_prefetch = 0 : i64, scratch_operands = 0 : i64, tpu.core_type = #tpu.core_type<tc>} {
    %get3A = arith.constant 0 : index
    %get3A_0 = vector.load %arg0[%get3A] : memref<16384xf32, #tpu.memory_space<vmem>>, vector<16384xf32>
    %get3A_1 = arith.constant 0 : index
    %get3A_2 = vector.load %arg1[%get3A_1] : memref<16384xf32, #tpu.memory_space<vmem>>, vector<16384xf32>
    %add3A = arith.addf %get3A_0, %get3A_2 : vector<16384xf32>
    %get3A_3 = arith.constant 0 : index
    %get3A_4 = vector.load %arg2[%get3A_3] : memref<16384xf32, #tpu.memory_space<vmem>>, vector<16384xf32>
    %add3A_5 = arith.addf %add3A, %get3A_4 : vector<16384xf32>
    %get3A_6 = arith.constant 0 : index
    %get3A_7 = memref.load %arg3[%get3A_6] : memref<1xf32, #tpu.memory_space<smem>>
    %add3A_8 = vector.broadcast %get3A_7 : f32 to vector<16384xf32>
    %add3A_9 = arith.addf %add3A_5, %add3A_8 : vector<16384xf32>
    %neg3A = arith.constant 0.000000e+00 : f32
    %neg3A_10 = vector.broadcast %neg3A : f32 to vector<16384xf32>
    %neg3A_11 = arith.subf %neg3A_10, %add3A_9 : vector<16384xf32>
    %exp3A = math.exp %neg3A_11 : vector<16384xf32>
    %add3A_12 = arith.constant 1.000000e+00 : f32
    %add3A_13 = vector.broadcast %add3A_12 : f32 to vector<16384xf32>
    %add3A_14 = arith.addf %add3A_13, %exp3A : vector<16384xf32>
    %div3A = arith.constant 1.000000e+00 : f32
    %div3A_15 = vector.broadcast %div3A : f32 to vector<16384xf32>
    %div3A_16 = arith.divf %div3A_15, %add3A_14 : vector<16384xf32>
    %swap3A = arith.constant 0 : index
    %swap3A_17 = vector.load %arg4[%swap3A] : memref<16384xf32, #tpu.memory_space<vmem>>, vector<16384xf32>
    tpu.vector_store %arg4[%swap3A], %div3A_16 {strides = array<i32>} : memref<16384xf32, #tpu.memory_space<vmem>>, vector<16384xf32>,
    return
  }
}

</mosaic_0001>

<sc_bundles>
// kernel: kernel.5.cloned.1.call-start
scs
__scs_entry_jumppad:
0x0: {  	(pc) =	sbr.rel $0x88, $3  }
0x1: {  	(tag) =	ssettag $0x0;
	lr =	simm.s32 $0x1  }
0x2: {  	[smem:$0x3F9C] =	sst lr;
	_ =	strace $0xD0000000  }
0x3: {  	_ = 	snop  }
0x4: {  	_ = 	snop  }
0x5: {  	_ = 	snop  }
0x6: {  	_ = 	snop  }
0x7: {  	_ = 	snop  }
__scs_overlays_trampoline_lowered:
0x8: {  	[smem:$0x3FAB] =	sst s0  }
0x9: {  	[smem:$0x3FAC] =	sst s1  }
0xa: {  	[smem:$0x3FAD] =	sst s2  }
0xb: {  	[smem:$0x3FAE] =	sst s3  }
0xc: {  	[smem:$0x3FAF] =	sst s4  }
0xd: {  	[smem:$0x3FB0] =	sst s5  }
0xe: {  	[smem:$0x3FB1] =	sst s6  }
0xf: {  	[smem:$0x3FB2] =	sst s7  }
0x10: {  	[smem:$0x3FB3] =	sst s8  }
0x11: {  	[smem:$0x3FB4] =	sst s9;
	s0 =	simm.s32 @!p0 $0x0  }
0x12: {  	s1 =	sld [smem:$0x3F9A];
	s0 =	simm.s32 @p0 $0x1  }
0x13: {  	[smem:$0x3FB5] =	sst s0;
	s0 =	simm.s32 @!p1 $0x0  }
0x14: {  	s2 =	sld [smem:$0x3F99];
	s0 =	simm.s32 @p1 $0x1  }
0x15: {  	[smem:$0x3FB6] =	sst s0;
	s0 =	simm.s32 @!p2 $0x0  }
0x16: {  	s3 =	sld [smem:$0x3FDB];
	s0 =	simm.s32 @p2 $0x1  }
0x17: {  	s4 =	simm.s32 $0x1BF5;
	[smem:$0x3FB8] =	sst s0  }
0x18: {  	s0 =	sld [smem:$0x3F9B];
	_ =	swait.ge [sflag:s4], $0x0  }
0x19: {  	s7 =	sld [smem:$0x3F9C]  }
0x1a: {  	s8 =	sadd.s32 $0xFFFFE003, lr  }
0x1b: {  	s9 =	sadd.s32 $0xFFFFFEF7, lr;
	s5 =	simm.s32 $0xFFFFFFFF;
	p2 =	slt.u32 s8, $0xFFFFF086  }
0x1c: {  	p1 =	slt.u32 s9, $0xF7A;
	s5 =	simm.s32 @!p2 $0x0  }
0x1d: {  	s5 =	simm.s32 @p1 $0x1;
	p0 =	seq.s32 s7, s2  }
0x1e: {  	s7 =	smul.u32 @!p0 $0xF7A, s2;
	p2 =	seq.s32 @!p0 s5, $0x0  }
0x1f: {  	s9 =	smul.u32 $0xF7A, s1;
	s8 =	simm.s32 @!p0 $0x1BF5;
	p2 =	por !p2, p0  }
0x20: {  	[sflag:s8] =	ssyncset.s32 @!p0 $0xFFFFF086;
	s6 =	sadd.s32 @!p0 s3, s7;
	s7 =	simm.s32 @!p0 $0x108  }
0x21: {  	s3 =	sadd.s32 s3, s9;
	s6 =	sadd.s32 @!p0 $0x88, s6;
	s7 =	simm.s32 @p2 $0x1082  }
0x22: {  	[simem:s7], [sflag:s8] =	dma.local @!p0 [hbm:s6], $0xF7A  }
0x23: {  	s9 =	sor.u32 $0xD0000000, s2;
	s6 =	simm.s32 $0x108;
	_ =	swait.ge @!p0 [sflag:s8], $0x0  }
0x24: {  	s3 =	sadd.s32 $0x88, s3;
	s6 =	simm.s32 @!p1 $0x1082;
	[sflag:s4] =	ssyncset.s32 $0xFFFFF086  }
0x25: {  	[simem:s6], [sflag:s4] =	dma.local [hbm:s3], $0xF7A  }
0x26: {  	[smem:$0x3F9C] =	sst s1;
	(tag) =	ssettag s2;
	_ =	strace s9  }
0x27: {  	s1 =	sld [smem:$0x3FAC]  }
0x28: {  	s2 =	sld [smem:$0x3FAD]  }
0x29: {  	s4 =	sld [smem:$0x3FAF]  }
0x2a: {  	p0 =	seq.s32 s5, $0x0;
	s5 =	sld [smem:$0x3FB0]  }
0x2b: {  	s6 =	sld [smem:$0x3FB1]  }
0x2c: {  	s7 =	sld [smem:$0x3FB2]  }
0x2d: {  	s3 =	simm.s32 $0x108;
	s8 =	sld [smem:$0x3FB3]  }
0x2e: {  	s3 =	simm.s32 @!p0 $0x1082;
	s9 =	sld [smem:$0x3FB4]  }
0x2f: {  	lr =	sadd.s32 s0, s3;
	s0 =	sld [smem:$0x3FAB]  }
0x30: {  	s3 =	sld [smem:$0x3FAE]  }
0x31: {  	[smem:$0x3FB7] =	sst s10  }
0x32: {  	s10 =	sld [smem:$0x3FB5];
	_ =	sdelay $0x3  }
0x33: {  	p0 =	seq.s32 s10, $0x1;
	s10 =	sld [smem:$0x3FB7];
	_ =	sdelay $0x3  }
0x34: {  	[smem:$0x3FB7] =	sst s10  }
0x35: {  	s10 =	sld [smem:$0x3FB6];
	_ =	sdelay $0x3  }
0x36: {  	p1 =	seq.s32 s10, $0x1;
	s10 =	sld [smem:$0x3FB7];
	_ =	sdelay $0x3  }
0x37: {  	[smem:$0x3FB7] =	sst s10  }
0x38: {  	s10 =	sld [smem:$0x3FB8]  }
0x39: {  	_ = 	snop;
	(pc) =	sbr.ind lr, $3  }
0x3a: {  	_ = 	snop  }
0x3b: {  	_ = 	snop  }
0x3c: {  	p2 =	seq.s32 s10, $0x1;
	s10 =	sld [smem:$0x3FB7]  }
0x3d: {  	_ =	shalt  }
0x3e: {  	_ =	shalt  }
0x3f: {  	_ =	shalt  }
0x40: {  	_ =	shalt  }
0x41: {  	_ =	shalt  }
0x42: {  	_ =	shalt  }
0x43: {  	_ =	shalt  }
0x44: {  	_ =	shalt  }
0x45: {  	_ =	shalt  }
0x46: {  	_ =	shalt  }
0x47: {  	_ =	shalt  }
0x48: {  	_ =	shalt  }
0x49: {  	_ =	shalt  }
0x4a: {  	_ =	shalt  }
0x4b: {  	_ =	shalt  }
0x4c: {  	_ =	shalt  }
0x4d: {  	_ =	shalt  }
0x4e: {  	_ =	shalt  }
0x4f: {  	_ =	shalt  }
0x50: {  	_ =	shalt  }
0x51: {  	_ =	shalt  }
0x52: {  	_ =	shalt  }
0x53: {  	_ =	shalt  }
0x54: {  	_ =	shalt  }
0x55: {  	_ =	shalt  }
0x56: {  	_ =	shalt  }
0x57: {  	_ =	shalt  }
0x58: {  	_ =	shalt  }
0x59: {  	_ =	shalt  }
0x5a: {  	_ =	shalt  }
0x5b: {  	_ =	shalt  }
0x5c: {  	_ =	shalt  }
0x5d: {  	_ =	shalt  }
0x5e: {  	_ =	shalt  }
0x5f: {  	_ =	shalt  }
0x60: {  	_ =	shalt  }
0x61: {  	_ =	shalt  }
0x62: {  	_ =	shalt  }
0x63: {  	_ =	shalt  }
0x64: {  	_ =	shalt  }
0x65: {  	_ =	shalt  }
0x66: {  	_ =	shalt  }
0x67: {  	_ =	shalt  }
0x68: {  	_ =	shalt  }
0x69: {  	_ =	shalt  }
0x6a: {  	_ =	shalt  }
0x6b: {  	_ =	shalt  }
0x6c: {  	_ =	shalt  }
0x6d: {  	_ =	shalt  }
0x6e: {  	_ =	shalt  }
0x6f: {  	_ =	shalt  }
0x70: {  	_ =	shalt  }
0x71: {  	_ =	shalt  }
0x72: {  	_ =	shalt  }
0x73: {  	_ =	shalt  }
0x74: {  	_ =	shalt  }
0x75: {  	_ =	shalt  }
0x76: {  	_ =	shalt  }
0x77: {  	_ =	shalt  }
0x78: {  	_ =	shalt  }
0x79: {  	_ =	shalt  }
0x7a: {  	_ =	shalt  }
0x7b: {  	_ =	shalt  }
0x7c: {  	_ =	shalt  }
0x7d: {  	_ =	shalt  }
0x7e: {  	_ =	shalt  }
0x7f: {  	_ =	shalt  }
0x80: {  	_ =	shalt  }
0x81: {  	_ =	shalt  }
0x82: {  	_ =	shalt  }
0x83: {  	_ =	shalt  }
0x84: {  	_ =	shalt  }
0x85: {  	_ =	shalt  }
0x86: {  	_ =	shalt  }
0x87: {  	_ =	shalt  }
.Lfunc_end0:
.L_simem_size_0:
called_computation_lowered:
.L_overlay_start_0:
0x88: {  	s2 =	sld [smem:$0x3FD9]  }
0x89: {  	s3 =	sld [smem:$0x3FFE];
	_ =	sdelay $0x1  }
0x8a: {  	s1 =	srdreg.scid  }
0x8b: {  	s0 =	sand.u32 $0x1, s1  }
0x8c: {  	s17 =	sshll.u32 s0, $0xA;
	s2 =	sadd.s32 s3, s2  }
0x8d: {  	s2 =	sadd.s32 s2, s17  }
0x8e: {  	[smem:$0x3FC3] =	sst s2  }
0x8f: {  	_ = 	snop  }
0x90: {  	s2 =	sld [smem:$0x3FD0];
	(tm) =	ssettm $0x1  }
0x91: {  	s18 =	sld [smem:$0x3FFB];
	_ =	sdelay $0x3  }
0x92: {  	_ =	strace s18  }
0x93: {  	s3 =	sld [smem:$0x3FFC];
	_ =	sdelay $0x3  }
0x94: {  	_ =	strace s3  }
0x95: {  	s3 =	sld [smem:$0x3FFD];
	_ =	sdelay $0x3  }
0x96: {  	_ =	strace s3  }
0x97: {  	_ =	strace $0x8FFFFFFF  }
0x98: {  	s19 =	sld [smem:$0x3FDB];
	_ =	sdelay $0x1  }
0x99: {  	s4 =	simm.s32 $_scs_section_size  }
0x9a: {  	s5 =	simm.s32 $_size__tile_overlayer_lowered;
	s6 =	simm.s32 $_tile_overlayer_lowered  }
0x9b: {  	s22 =	simm.s32 $0x1BFF;
	s21 =	sshll.u32 s6, $0x1;
	s3 =	sadd.s32 s4, s19  }
0x9c: {  	s7 =	simm.s32 $0x0;
	s20 =	sshll.u32 s5, $0x1;
	s5 =	sadd.s32 s21, s3  }
0x9d: {  	[timem:s7], [sflag:s22] =	dma.local [hbm:s5], s20  }
0x9e: {  	_ =	swait.ge [sflag:s22], s20  }
0x9f: {  	s4 =	ssub.s32 $0x0, s20;
	[sflag:s22] =	ssyncset.done $0x0  }
0xa0: {  	[sflag:s22] =	ssyncadd.s32 s4;
	_ =	sdelay $0x1  }
0xa1: {  	s23 =	simm.s32 $0x1B8B  }
0xa2: {  	_ =	swait.ge [sflag:s23], $0x1  }
0xa3: {  	[sflag:s23] =	ssyncset.done $0x0  }
0xa4: {  	s25 =	simm.s32 $0x1B8E;
	s24 =	sld [smem:$0x3FFE];
	[sflag:s23] =	ssyncadd.s32 $0xFFFFFFFF  }
0xa5: {  	s26 =	simm.s32 $execute0_lowered;
	[smem:$0x3FD2] =	sst s25  }
0xa6: {  	s5 =	sshll.u32 s26, $0x1;
	_ =	strace $0x80000046;
	[dreg:$0x1] =	wrdreg $0xFFFFFFFF  }
0xa7: {  	s28 =	simm.s32 $_size_execute0_lowered;
	s3 =	sadd.s32 s3, s5;
	[dreg:$0x0] =	wrdreg $0x0  }
0xa8: {  	s5 =	sshll.u32 s28, $0x1;
	[dreg:$0x2] =	wrdreg s3  }
0xa9: {  	[dreg:$0x3] =	wrdreg s5  }
0xaa: {  	[dreg:$0x4] =	wrdreg $0xC0  }
0xab: {  	_ =	task [dreg:s7], $0x5FFFF  }
0xac: {  	[dreg:$0x1] =	wrdreg $0xFFFFFFFF  }
0xad: {  	[dreg:$0x0] =	wrdreg $0x60  }
0xae: {  	[dreg:$0x2] =	wrdreg s24  }
0xaf: {  	[dreg:$0x3] =	wrdreg s2  }
0xb0: {  	[dreg:$0x4] =	wrdreg $0x9  }
0xb1: {  	_ =	task.clear_ibuf [dreg:s7], $0x5FFFF;
	_ =	strace $0x90000046  }
0xb2: {  	s29 =	simm.s32 $0x9;
	_ =	strace $0x80000048  }
0xb3: {  	_ =	swait.ge [sflag:s29], $0x1  }
0xb4: {  	[sflag:s29] =	ssyncadd.s32 $0xFFFFFFFF  }
0xb5: {  	_ =	strace $0x90000048  }
0xb6: {  	_ =	sfence  }
0xb7: {  	s30 =	sld [smem:$0x0];
	_ =	sdelay $0x2  }
0xb8: {  	s31 =	sshll.u32 s1, $0xD;
	s1 =	sshrl.u32 s1, $0x2  }
0xb9: {  	s3 =	sand.u32 $0x4000, s31;
	s1 =	sadd.s32 s1, s30  }
0xba: {  	s0 =	sor.u32 s3, s0;
	s1 =	sshll.u32 s1, $0x11  }
0xbb: {  	s0 =	sor.u32 s1, s0  }
0xbc: {  	s0 =	sadd.s32 $0x8F2B, s0  }
0xbd: {  	[sflag:s0] =	ssyncadd.remote.s32 $0x1  }
0xbe: {  	_ =	sfence.sel $0xFFFF  }
0xbf: {  	[dreg:$0x0] =	wrdreg $0xFFFFFFFF;
	(pc) =	sbr.abs _section_cstart, $3  }
0xc0: {  	[dreg:$0x1] =	wrdreg $0xFFFFFFFF  }
0xc1: {  	_ =	task.clear_ibuf [dreg:s7], $0x2FFFF;
	_ =	strace $0x9FFFFFFF  }
0xc2: {  	(tm) =	ssettm $0x7FFFFFFF  }
0xc3: {  	_ =	shalt  }
tec
execute0_lowered:
.L_overlay_start_1:
0x0: {  	(tag) =	ssettag $0x1  }
0x1: {  	s0 =	rddreg [dreg:$0x0]  }
0x2: {  	s1 =	rddreg [dreg:$0x1]  }
0x3: {  	s2 =	simm.s32 $0x0;
	s3 =	srdreg.scid;
	s4 =	stileid.u32  }
0x4: {  	s24 =	simm.s32 $0x200;
	s23 =	simm.s32 $0x80;
	s25 =	simm.s32 $0x280  }
0x5: {  	s26 =	simm.s32 $0x100;
	s28 =	simm.s32 $0x300;
	s29 =	simm.s32 $0x180  }
0x6: {  	s30 =	simm.s32 $0x380;
	s14 =	simm.s32 $0x400;
	s15 =	simm.s32 $0x600  }
0x7: {  	p0 =	por $0x0, $0x0;
	[smem:$0x7FF] =	sst s2;
	s3 =	sand.u32 $0x1, s3  }
0x8: {  	s5 =	sshll.u32 s4, $0x7;
	s7 =	sadd.s32 $0x1600, s0;
	s4 =	sadd.s32 $0x20800, s0  }
0x9: {  	s13 =	sadd.s32 $0x1E00, s0;
	s11 =	sadd.s32 $0x23A00, s0;
	s6 =	sshll.u32 s3, $0x6  }
0xa: {  	s0 =	sadd.s32 $0x24200, s0;
	s3 =	ssub.s32 $0x2, s3;
	s6 =	sor.u32 s6, s5  }
0xb: {  	_ =	strace $0x80000047;
	s9 =	sshrl.u32 s3, $0x1;
	s5 =	sadd.s32 s7, s6  }
0xc: {  	s16 =	sadd.s32 s1, s6;
	s8 =	sor.u32 $0x10, s6;
	s10 =	sor.u32 $0x20, s6  }
0xd: {  	s12 =	sor.u32 $0x30, s6;
	s3 =	ssub.s32 s3, s9;
	[dreg:$0x3] =	wrdreg s5  }
0xe: {  	[dreg:$0x4] =	wrdreg s16;
	s17 =	sadd.s32 s7, s8;
	s18 =	sadd.s32 s1, s8  }
0xf: {  	s19 =	sadd.s32 s7, s10;
	s20 =	sadd.s32 s1, s10;
	s21 =	sadd.s32 s7, s12  }
0x10: {  	s31 =	sadd.s32 s1, s12;
	s5 =	sadd.s32 s11, s6;
	s6 =	sadd.s32 s0, s6  }
0x11: {  	s7 =	sadd.s32 s11, s8;
	s8 =	sadd.s32 s0, s8;
	s9 =	sadd.s32 s11, s10  }
0x12: {  	s10 =	sadd.s32 s0, s10;
	s22 =	smax.u32 s3, $0x1;
	[dreg:$0x5] =	wrdreg s17  }
0x13: {  	s11 =	sadd.s32 s11, s12;
	[dreg:$0x6] =	wrdreg s18;
	p1 =	sne.s32 s22, $0x1  }
.Ltmp0:
0x14: {  	s12 =	sadd.s32 s0, s12;
	[dreg:$0x7] =	wrdreg s19;
	(pc) =	sbr.rel @!p1 .LBB2_3-.Ltmp0, $4  }
0x15: {  	s3 =	simm.s32 $0x1;
	s16 =	simm.s32 $0x480;
	[dreg:$0x8] =	wrdreg s20  }
0x16: {  	[dreg:$0x9] =	wrdreg s21;
	s0 =	sadd.s32 $0xFFFFFFFF, s22;
	s17 =	simm.s32 $0x680  }
0x17: {  	s18 =	simm.s32 $0x500;
	s19 =	simm.s32 $0x700;
	s20 =	simm.s32 $0x580  }
0x18: {  	s21 =	simm.s32 $0x780;
	s22 =	simm.s32 $0x2;
	s1 =	rddreg [dreg:$0x3]  }
0x19: {  	[dreg:$0xa] =	wrdreg s0  }
0x1a: {  	[tilespmem:s2], [sflag:$0x1] =	stream.linear.gather [hbm4b:s1+s2], $0x80, $0x38;
	[tilespmem:$0x800] =	vst v63  }
0x1b: {  	s0 =	rddreg [dreg:$0x4]  }
0x1c: {  	[tilespmem:s24], [sflag:$0x1] =	stream.linear.gather [hbm4b:s0+s2], $0x80, $0x38;
	[tilespmem:$0x800] =	vst v63  }
0x1d: {  	s1 =	rddreg [dreg:$0x5]  }
0x1e: {  	[tilespmem:s23], [sflag:$0x1] =	stream.linear.gather [hbm4b:s1+s2], $0x80, $0x38;
	[tilespmem:$0x800] =	vst v63  }
0x1f: {  	s0 =	rddreg [dreg:$0x6]  }
0x20: {  	[tilespmem:s25], [sflag:$0x1] =	stream.linear.gather [hbm4b:s0+s2], $0x80, $0x38;
	[tilespmem:$0x800] =	vst v63  }
0x21: {  	s1 =	rddreg [dreg:$0x7]  }
0x22: {  	[tilespmem:s26], [sflag:$0x1] =	stream.linear.gather [hbm4b:s1+s2], $0x80, $0x38;
	[tilespmem:$0x800] =	vst v63  }
0x23: {  	s0 =	rddreg [dreg:$0x8]  }
0x24: {  	[tilespmem:s28], [sflag:$0x1] =	stream.linear.gather [hbm4b:s0+s2], $0x80, $0x38;
	[tilespmem:$0x800] =	vst v63  }
0x25: {  	s1 =	rddreg [dreg:$0x9]  }
0x26: {  	[tilespmem:s29], [sflag:$0x1] =	stream.linear.gather [hbm4b:s1+s2], $0x80, $0x38;
	[tilespmem:$0x800] =	vst v63  }
0x27: {  	_ = 	snop  }
0x28: {  	[tilespmem:s30], [sflag:$0x1] =	stream.linear.gather [hbm4b:s31+s2], $0x80, $0x38;
	[tilespmem:$0x800] =	vst v63  }
0x29: {  	_ =	swait.ge [sflag:s3], $0x80  }
0x2a: {  	[sflag:s3] =	ssyncset.done $0x0  }
0x2b: {  	[sflag:s3] =	ssyncadd.s32 $0xFFFFFF80  }
0x2c: {  	_ =	swait.ge [sflag:s3], $0x80  }
0x2d: {  	[sflag:s3] =	ssyncset.done $0x0  }
0x2e: {  	[sflag:s3] =	ssyncadd.s32 $0xFFFFFF80  }
0x2f: {  	_ =	swait.ge [sflag:s3], $0x80  }
0x30: {  	[sflag:s3] =	ssyncset.done $0x0  }
0x31: {  	[sflag:s3] =	ssyncadd.s32 $0xFFFFFF80  }
0x32: {  	_ =	swait.ge [sflag:s3], $0x80  }
0x33: {  	[sflag:s3] =	ssyncset.done $0x0  }
0x34: {  	[sflag:s3] =	ssyncadd.s32 $0xFFFFFF80  }
0x35: {  	_ =	swait.ge [sflag:s3], $0x80  }
0x36: {  	[sflag:s3] =	ssyncset.done $0x0  }
0x37: {  	[sflag:s3] =	ssyncadd.s32 $0xFFFFFF80  }
0x38: {  	_ =	swait.ge [sflag:s3], $0x80  }
0x39: {  	[sflag:s3] =	ssyncset.done $0x0  }
0x3a: {  	[sflag:s3] =	ssyncadd.s32 $0xFFFFFF80  }
0x3b: {  	_ =	swait.ge [sflag:s3], $0x80  }
0x3c: {  	[sflag:s3] =	ssyncset.done $0x0  }
0x3d: {  	[sflag:s3] =	ssyncadd.s32 $0xFFFFFF80  }
0x3e: {  	_ =	swait.ge [sflag:s3], $0x80  }
0x3f: {  	[sflag:s3] =	ssyncset.done $0x0  }
0x40: {  	[sflag:s3] =	ssyncadd.s32 $0xFFFFFF80  }
0x41: {  	[tilespmem:s14], [sflag:$0x2] =	stream.indirect.gather [hbm4b:s4+s23], $0x1, s2, s23, $0xb8;
	[tilespmem:$0x800] =	vst v63  }
0x42: {  	_ = 	snop  }
0x43: {  	[tilespmem:s15], [sflag:$0x2] =	stream.indirect.gather [hbm4b:s13+s23], $0x1, s24, s23, $0xb8;
	[tilespmem:$0x800] =	vst v63  }
0x44: {  	_ = 	snop  }
0x45: {  	[tilespmem:s16], [sflag:$0x2] =	stream.indirect.gather [hbm4b:s4+s23], $0x1, s23, s23, $0xb8;
	[tilespmem:$0x800] =	vst v63  }
0x46: {  	_ = 	snop  }
0x47: {  	[tilespmem:s17], [sflag:$0x2] =	stream.indirect.gather [hbm4b:s13+s23], $0x1, s25, s23, $0xb8;
	[tilespmem:$0x800] =	vst v63  }
0x48: {  	_ = 	snop  }
0x49: {  	[tilespmem:s18], [sflag:$0x2] =	stream.indirect.gather [hbm4b:s4+s23], $0x1, s26, s23, $0xb8;
	[tilespmem:$0x800] =	vst v63  }
0x4a: {  	_ = 	snop  }
0x4b: {  	[tilespmem:s19], [sflag:$0x2] =	stream.indirect.gather [hbm4b:s13+s23], $0x1, s28, s23, $0xb8;
	[tilespmem:$0x800] =	vst v63  }
0x4c: {  	_ = 	snop  }
0x4d: {  	[tilespmem:s20], [sflag:$0x2] =	stream.indirect.gather [hbm4b:s4+s23], $0x1, s29, s23, $0xb8;
	[tilespmem:$0x800] =	vst v63  }
0x4e: {  	_ = 	snop  }
0x4f: {  	[tilespmem:s21], [sflag:$0x2] =	stream.indirect.gather [hbm4b:s13+s23], $0x1, s30, s23, $0xb8;
	[tilespmem:$0x800] =	vst v63  }
0x50: {  	_ =	swait.ge [sflag:s22], $0x80  }
0x51: {  	[sflag:s22] =	ssyncset.done $0x0  }
0x52: {  	[sflag:s22] =	ssyncadd.s32 $0xFFFFFF80  }
0x53: {  	_ =	swait.ge [sflag:s22], $0x80  }
0x54: {  	[sflag:s22] =	ssyncset.done $0x0  }
0x55: {  	[sflag:s22] =	ssyncadd.s32 $0xFFFFFF80  }
0x56: {  	_ =	swait.ge [sflag:s22], $0x80  }
0x57: {  	[sflag:s22] =	ssyncset.done $0x0  }
0x58: {  	[sflag:s22] =	ssyncadd.s32 $0xFFFFFF80  }
0x59: {  	_ =	swait.ge [sflag:s22], $0x80  }
0x5a: {  	[sflag:s22] =	ssyncset.done $0x0  }
0x5b: {  	[sflag:s22] =	ssyncadd.s32 $0xFFFFFF80  }
0x5c: {  	_ =	swait.ge [sflag:s22], $0x80  }
0x5d: {  	[sflag:s22] =	ssyncset.done $0x0  }
0x5e: {  	[sflag:s22] =	ssyncadd.s32 $0xFFFFFF80  }
0x5f: {  	_ =	swait.ge [sflag:s22], $0x80  }
0x60: {  	[sflag:s22] =	ssyncset.done $0x0  }
0x61: {  	[sflag:s22] =	ssyncadd.s32 $0xFFFFFF80  }
0x62: {  	_ =	swait.ge [sflag:s22], $0x80  }
0x63: {  	[sflag:s22] =	ssyncset.done $0x0  }
0x64: {  	[sflag:s22] =	ssyncadd.s32 $0xFFFFFF80  }
0x65: {  	_ =	swait.ge [sflag:s22], $0x80  }
0x66: {  	[sflag:s22] =	ssyncset.done $0x0  }
0x67: {  	[sflag:s22] =	ssyncadd.s32 $0xFFFFFF80  }
0x68: {  	[hbm4b:s5+s2] =	stream.linear.scatter [tilespmem:s14], [sflag:$0x1], $0x80, $0x38;
	[tilespmem:$0x800] =	vst v63  }
0x69: {  	_ = 	snop  }
0x6a: {  	[hbm4b:s6+s2] =	stream.linear.scatter [tilespmem:s15], [sflag:$0x1], $0x80, $0x38;
	[tilespmem:$0x800] =	vst v63  }
0x6b: {  	_ = 	snop  }
0x6c: {  	[hbm4b:s7+s2] =	stream.linear.scatter [tilespmem:s16], [sflag:$0x1], $0x80, $0x38;
	[tilespmem:$0x800] =	vst v63  }
0x6d: {  	_ = 	snop  }
0x6e: {  	[hbm4b:s8+s2] =	stream.linear.scatter [tilespmem:s17], [sflag:$0x1], $0x80, $0x38;
	[tilespmem:$0x800] =	vst v63  }
0x6f: {  	_ = 	snop  }
0x70: {  	[hbm4b:s9+s2] =	stream.linear.scatter [tilespmem:s18], [sflag:$0x1], $0x80, $0x38;
	[tilespmem:$0x800] =	vst v63  }
0x71: {  	_ = 	snop  }
0x72: {  	[hbm4b:s10+s2] =	stream.linear.scatter [tilespmem:s19], [sflag:$0x1], $0x80, $0x38;
	[tilespmem:$0x800] =	vst v63  }
0x73: {  	_ = 	snop  }
0x74: {  	[hbm4b:s11+s2] =	stream.linear.scatter [tilespmem:s20], [sflag:$0x1], $0x80, $0x38;
	[tilespmem:$0x800] =	vst v63  }
0x75: {  	_ = 	snop  }
0x76: {  	[hbm4b:s12+s2] =	stream.linear.scatter [tilespmem:s21], [sflag:$0x1], $0x80, $0x38;
	[tilespmem:$0x800] =	vst v63  }
0x77: {  	_ =	swait.ge [sflag:s3], $0x80  }
0x78: {  	[sflag:s3] =	ssyncset.done $0x0  }
0x79: {  	[sflag:s3] =	ssyncadd.s32 $0xFFFFFF80  }
0x7a: {  	_ =	swait.ge [sflag:s3], $0x80  }
0x7b: {  	[sflag:s3] =	ssyncset.done $0x0  }
0x7c: {  	[sflag:s3] =	ssyncadd.s32 $0xFFFFFF80  }
0x7d: {  	_ =	swait.ge [sflag:s3], $0x80  }
0x7e: {  	[sflag:s3] =	ssyncset.done $0x0  }
0x7f: {  	[sflag:s3] =	ssyncadd.s32 $0xFFFFFF80  }
0x80: {  	_ =	swait.ge [sflag:s3], $0x80  }
0x81: {  	[sflag:s3] =	ssyncset.done $0x0  }
0x82: {  	[sflag:s3] =	ssyncadd.s32 $0xFFFFFF80  }
0x83: {  	_ =	swait.ge [sflag:s3], $0x80  }
0x84: {  	[sflag:s3] =	ssyncset.done $0x0  }
0x85: {  	[sflag:s3] =	ssyncadd.s32 $0xFFFFFF80  }
0x86: {  	_ =	swait.ge [sflag:s3], $0x80  }
0x87: {  	[sflag:s3] =	ssyncset.done $0x0  }
0x88: {  	[sflag:s3] =	ssyncadd.s32 $0xFFFFFF80  }
0x89: {  	_ =	swait.ge [sflag:s3], $0x80  }
0x8a: {  	s1 =	rddreg [dreg:$0xa]  }
0x8b: {  	p1 =	sne.s32 s1, $0x1  }
.Ltmp1:
0x8c: {  	_ = 	snop;
	(pc) =	sbr.rel @!p1 .LBB2_3-.Ltmp1, $4  }
0x8d: {  	[sflag:s3] =	ssyncset.done $0x0  }
0x8e: {  	[sflag:s3] =	ssyncadd.s32 $0xFFFFFF80  }
0x8f: {  	p0 =	por $0x1, $0x1;
	_ =	swait.ge [sflag:s3], $0x80  }
0x90: {  	s0 =	sadd.s32 $0xFFFFFFFF, s1;
	s1 =	rddreg [dreg:$0x3];
	[sflag:s3] =	ssyncset.done $0x0  }
.LBB2_2:
0x91: {  	[sflag:s3] =	ssyncadd.s32 $0xFFFFFF80  }
0x92: {  	s14 =	smov.u32 s12;
	s12 =	smov.u32 s11;
	s11 =	smov.u32 s10  }
0x93: {  	s10 =	smov.u32 s9;
	s9 =	smov.u32 s8;
	s8 =	smov.u32 s7  }
0x94: {  	[tilespmem:s2], [sflag:$0x1] =	stream.linear.gather [hbm4b:s1+s2], $0x80, $0x38;
	[tilespmem:$0x800] =	vst v63  }
0x95: {  	s7 =	smov.u32 s6;
	s6 =	smov.u32 s5;
	s5 =	rddreg [dreg:$0x4]  }
0x96: {  	[tilespmem:s24], [sflag:$0x1] =	stream.linear.gather [hbm4b:s5+s2], $0x80, $0x38;
	[tilespmem:$0x800] =	vst v63  }
0x97: {  	s1 =	rddreg [dreg:$0x5]  }
0x98: {  	[tilespmem:s23], [sflag:$0x1] =	stream.linear.gather [hbm4b:s1+s2], $0x80, $0x38;
	[tilespmem:$0x800] =	vst v63  }
0x99: {  	s5 =	rddreg [dreg:$0x6]  }
0x9a: {  	[tilespmem:s25], [sflag:$0x1] =	stream.linear.gather [hbm4b:s5+s2], $0x80, $0x38;
	[tilespmem:$0x800] =	vst v63  }
0x9b: {  	s1 =	rddreg [dreg:$0x7]  }
0x9c: {  	[tilespmem:s26], [sflag:$0x1] =	stream.linear.gather [hbm4b:s1+s2], $0x80, $0x38;
	[tilespmem:$0x800] =	vst v63  }
0x9d: {  	s5 =	rddreg [dreg:$0x8]  }
0x9e: {  	[tilespmem:s28], [sflag:$0x1] =	stream.linear.gather [hbm4b:s5+s2], $0x80, $0x38;
	[tilespmem:$0x800] =	vst v63  }
0x9f: {  	s1 =	rddreg [dreg:$0x9]  }
0xa0: {  	[tilespmem:s29], [sflag:$0x1] =	stream.linear.gather [hbm4b:s1+s2], $0x80, $0x38;
	[tilespmem:$0x800] =	vst v63  }
0xa1: {  	_ = 	snop  }
0xa2: {  	[tilespmem:s30], [sflag:$0x1] =	stream.linear.gather [hbm4b:s31+s2], $0x80, $0x38;
	[tilespmem:$0x800] =	vst v63  }
0xa3: {  	_ =	swait.ge [sflag:s3], $0x80  }
0xa4: {  	[sflag:s3] =	ssyncset.done $0x0  }
0xa5: {  	[sflag:s3] =	ssyncadd.s32 $0xFFFFFF80  }
0xa6: {  	_ =	swait.ge [sflag:s3], $0x80  }
0xa7: {  	[sflag:s3] =	ssyncset.done $0x0  }
0xa8: {  	[sflag:s3] =	ssyncadd.s32 $0xFFFFFF80  }
0xa9: {  	_ =	swait.ge [sflag:s3], $0x80  }
0xaa: {  	[sflag:s3] =	ssyncset.done $0x0  }
0xab: {  	[sflag:s3] =	ssyncadd.s32 $0xFFFFFF80  }
0xac: {  	_ =	swait.ge [sflag:s3], $0x80  }
0xad: {  	[sflag:s3] =	ssyncset.done $0x0  }
0xae: {  	[sflag:s3] =	ssyncadd.s32 $0xFFFFFF80  }
0xaf: {  	_ =	swait.ge [sflag:s3], $0x80  }
0xb0: {  	[sflag:s3] =	ssyncset.done $0x0  }
0xb1: {  	[sflag:s3] =	ssyncadd.s32 $0xFFFFFF80  }
0xb2: {  	_ =	swait.ge [sflag:s3], $0x80  }
0xb3: {  	[sflag:s3] =	ssyncset.done $0x0  }
0xb4: {  	[sflag:s3] =	ssyncadd.s32 $0xFFFFFF80  }
0xb5: {  	_ =	swait.ge [sflag:s3], $0x80  }
0xb6: {  	s5 =	smov.u32 s6;
	[sflag:s3] =	ssyncset.done $0x0  }
0xb7: {  	s6 =	smov.u32 s7;
	s7 =	smov.u32 s8;
	[sflag:s3] =	ssyncadd.s32 $0xFFFFFF80  }
0xb8: {  	s8 =	smov.u32 s9;
	s9 =	smov.u32 s10;
	_ =	swait.ge [sflag:s3], $0x80  }
0xb9: {  	s10 =	smov.u32 s11;
	s11 =	smov.u32 s12;
	[sflag:s3] =	ssyncset.done $0x0  }
0xba: {  	s12 =	smov.u32 s14;
	s14 =	simm.s32 $0x400;
	[sflag:s3] =	ssyncadd.s32 $0xFFFFFF80  }
0xbb: {  	[tilespmem:s14], [sflag:$0x2] =	stream.indirect.gather [hbm4b:s4+s23], $0x1, s2, s23, $0xb8;
	[tilespmem:$0x800] =	vst v63  }
0xbc: {  	_ = 	snop  }
0xbd: {  	[tilespmem:s15], [sflag:$0x2] =	stream.indirect.gather [hbm4b:s13+s23], $0x1, s24, s23, $0xb8;
	[tilespmem:$0x800] =	vst v63  }
0xbe: {  	_ = 	snop  }
0xbf: {  	[tilespmem:s16], [sflag:$0x2] =	stream.indirect.gather [hbm4b:s4+s23], $0x1, s23, s23, $0xb8;
	[tilespmem:$0x800] =	vst v63  }
0xc0: {  	_ = 	snop  }
0xc1: {  	[tilespmem:s17], [sflag:$0x2] =	stream.indirect.gather [hbm4b:s13+s23], $0x1, s25, s23, $0xb8;
	[tilespmem:$0x800] =	vst v63  }
0xc2: {  	_ = 	snop  }
0xc3: {  	[tilespmem:s18], [sflag:$0x2] =	stream.indirect.gather [hbm4b:s4+s23], $0x1, s26, s23, $0xb8;
	[tilespmem:$0x800] =	vst v63  }
0xc4: {  	_ = 	snop  }
0xc5: {  	[tilespmem:s19], [sflag:$0x2] =	stream.indirect.gather [hbm4b:s13+s23], $0x1, s28, s23, $0xb8;
	[tilespmem:$0x800] =	vst v63  }
0xc6: {  	_ = 	snop  }
0xc7: {  	[tilespmem:s20], [sflag:$0x2] =	stream.indirect.gather [hbm4b:s4+s23], $0x1, s29, s23, $0xb8;
	[tilespmem:$0x800] =	vst v63  }
0xc8: {  	_ = 	snop  }
0xc9: {  	[tilespmem:s21], [sflag:$0x2] =	stream.indirect.gather [hbm4b:s13+s23], $0x1, s30, s23, $0xb8;
	[tilespmem:$0x800] =	vst v63  }
0xca: {  	_ =	swait.ge [sflag:s22], $0x80  }
0xcb: {  	[sflag:s22] =	ssyncset.done $0x0  }
0xcc: {  	[sflag:s22] =	ssyncadd.s32 $0xFFFFFF80  }
0xcd: {  	_ =	swait.ge [sflag:s22], $0x80  }
0xce: {  	[sflag:s22] =	ssyncset.done $0x0  }
0xcf: {  	[sflag:s22] =	ssyncadd.s32 $0xFFFFFF80  }
0xd0: {  	_ =	swait.ge [sflag:s22], $0x80  }
0xd1: {  	[sflag:s22] =	ssyncset.done $0x0  }
0xd2: {  	[sflag:s22] =	ssyncadd.s32 $0xFFFFFF80  }
0xd3: {  	_ =	swait.ge [sflag:s22], $0x80  }
0xd4: {  	[sflag:s22] =	ssyncset.done $0x0  }
0xd5: {  	[sflag:s22] =	ssyncadd.s32 $0xFFFFFF80  }
0xd6: {  	_ =	swait.ge [sflag:s22], $0x80  }
0xd7: {  	[sflag:s22] =	ssyncset.done $0x0  }
0xd8: {  	[sflag:s22] =	ssyncadd.s32 $0xFFFFFF80  }
0xd9: {  	_ =	swait.ge [sflag:s22], $0x80  }
0xda: {  	[sflag:s22] =	ssyncset.done $0x0  }
0xdb: {  	[sflag:s22] =	ssyncadd.s32 $0xFFFFFF80  }
0xdc: {  	_ =	swait.ge [sflag:s22], $0x80  }
0xdd: {  	[sflag:s22] =	ssyncset.done $0x0  }
0xde: {  	[sflag:s22] =	ssyncadd.s32 $0xFFFFFF80  }
0xdf: {  	_ =	swait.ge [sflag:s22], $0x80  }
0xe0: {  	[sflag:s22] =	ssyncset.done $0x0  }
0xe1: {  	[sflag:s22] =	ssyncadd.s32 $0xFFFFFF80  }
0xe2: {  	[hbm4b:s5+s2] =	stream.linear.scatter [tilespmem:s14], [sflag:$0x1], $0x80, $0x38;
	[tilespmem:$0x800] =	vst v63  }
0xe3: {  	_ = 	snop  }
0xe4: {  	[hbm4b:s6+s2] =	stream.linear.scatter [tilespmem:s15], [sflag:$0x1], $0x80, $0x38;
	[tilespmem:$0x800] =	vst v63  }
0xe5: {  	_ = 	snop  }
0xe6: {  	[hbm4b:s7+s2] =	stream.linear.scatter [tilespmem:s16], [sflag:$0x1], $0x80, $0x38;
	[tilespmem:$0x800] =	vst v63  }
0xe7: {  	_ = 	snop  }
0xe8: {  	[hbm4b:s8+s2] =	stream.linear.scatter [tilespmem:s17], [sflag:$0x1], $0x80, $0x38;
	[tilespmem:$0x800] =	vst v63  }
0xe9: {  	_ = 	snop  }
0xea: {  	[hbm4b:s9+s2] =	stream.linear.scatter [tilespmem:s18], [sflag:$0x1], $0x80, $0x38;
	[tilespmem:$0x800] =	vst v63  }
0xeb: {  	_ = 	snop  }
0xec: {  	[hbm4b:s10+s2] =	stream.linear.scatter [tilespmem:s19], [sflag:$0x1], $0x80, $0x38;
	[tilespmem:$0x800] =	vst v63  }
0xed: {  	_ = 	snop  }
0xee: {  	[hbm4b:s11+s2] =	stream.linear.scatter [tilespmem:s20], [sflag:$0x1], $0x80, $0x38;
	[tilespmem:$0x800] =	vst v63  }
0xef: {  	_ = 	snop  }
0xf0: {  	[hbm4b:s12+s2] =	stream.linear.scatter [tilespmem:s21], [sflag:$0x1], $0x80, $0x38;
	[tilespmem:$0x800] =	vst v63  }
0xf1: {  	_ =	swait.ge [sflag:s3], $0x80  }
0xf2: {  	[sflag:s3] =	ssyncset.done $0x0  }
0xf3: {  	[sflag:s3] =	ssyncadd.s32 $0xFFFFFF80  }
0xf4: {  	_ =	swait.ge [sflag:s3], $0x80  }
0xf5: {  	[sflag:s3] =	ssyncset.done $0x0  }
0xf6: {  	[sflag:s3] =	ssyncadd.s32 $0xFFFFFF80  }
0xf7: {  	_ =	swait.ge [sflag:s3], $0x80  }
0xf8: {  	[sflag:s3] =	ssyncset.done $0x0  }
0xf9: {  	[sflag:s3] =	ssyncadd.s32 $0xFFFFFF80  }
0xfa: {  	_ =	swait.ge [sflag:s3], $0x80  }
0xfb: {  	[sflag:s3] =	ssyncset.done $0x0  }
0xfc: {  	[sflag:s3] =	ssyncadd.s32 $0xFFFFFF80  }
0xfd: {  	_ =	swait.ge [sflag:s3], $0x80  }
0xfe: {  	[sflag:s3] =	ssyncset.done $0x0  }
0xff: {  	[sflag:s3] =	ssyncadd.s32 $0xFFFFFF80  }
0x100: {  	_ =	swait.ge [sflag:s3], $0x80  }
0x101: {  	[sflag:s3] =	ssyncset.done $0x0  }
0x102: {  	p1 =	sne.s32 s0, $0x1;
	[sflag:s3] =	ssyncadd.s32 $0xFFFFFF80  }
.Ltmp2:
0x103: {  	_ =	swait.ge [sflag:s3], $0x80;
	(pc) =	sbr.rel @p1 .LBB2_2-.Ltmp2, $4  }
0x104: {  	[sflag:s3] =	ssyncset.done $0x0  }
0x105: {  	[sflag:s3] =	ssyncadd.s32 $0xFFFFFF80  }
0x106: {  	_ =	swait.ge [sflag:s3], $0x80  }
0x107: {  	s0 =	sadd.s32 $0xFFFFFFFF, s0;
	s1 =	rddreg [dreg:$0x3];
	[sflag:s3] =	ssyncset.done $0x0  }
.LBB2_3:
0x108: {  	[sflag:s3] =	ssyncadd.s32 @p0 $0xFFFFFF80  }
0x109: {  	[tilespmem:s2], [sflag:$0x1] =	stream.linear.gather [hbm4b:s1+s2], $0x80, $0x38;
	[tilespmem:$0x800] =	vst v63  }
0x10a: {  	s0 =	rddreg [dreg:$0x4]  }
0x10b: {  	[tilespmem:s24], [sflag:$0x1] =	stream.linear.gather [hbm4b:s0+s2], $0x80, $0x38;
	[tilespmem:$0x800] =	vst v63  }
0x10c: {  	s1 =	rddreg [dreg:$0x5]  }
0x10d: {  	[tilespmem:s23], [sflag:$0x1] =	stream.linear.gather [hbm4b:s1+s2], $0x80, $0x38;
	[tilespmem:$0x800] =	vst v63  }
0x10e: {  	s0 =	rddreg [dreg:$0x6]  }
0x10f: {  	[tilespmem:s25], [sflag:$0x1] =	stream.linear.gather [hbm4b:s0+s2], $0x80, $0x38;
	[tilespmem:$0x800] =	vst v63  }
0x110: {  	s1 =	rddreg [dreg:$0x7]  }
0x111: {  	[tilespmem:s26], [sflag:$0x1] =	stream.linear.gather [hbm4b:s1+s2], $0x80, $0x38;
	[tilespmem:$0x800] =	vst v63  }
0x112: {  	s0 =	rddreg [dreg:$0x8]  }
0x113: {  	[tilespmem:s28], [sflag:$0x1] =	stream.linear.gather [hbm4b:s0+s2], $0x80, $0x38;
	[tilespmem:$0x800] =	vst v63  }
0x114: {  	s1 =	rddreg [dreg:$0x9]  }
0x115: {  	[tilespmem:s29], [sflag:$0x1] =	stream.linear.gather [hbm4b:s1+s2], $0x80, $0x38;
	[tilespmem:$0x800] =	vst v63  }
0x116: {  	_ = 	snop  }
0x117: {  	[tilespmem:s30], [sflag:$0x1] =	stream.linear.gather [hbm4b:s31+s2], $0x80, $0x38;
	[tilespmem:$0x800] =	vst v63  }
0x118: {  	_ =	swait.ge [sflag:s3], $0x80  }
0x119: {  	[sflag:s3] =	ssyncset.done $0x0  }
0x11a: {  	[sflag:s3] =	ssyncadd.s32 $0xFFFFFF80  }
0x11b: {  	_ =	swait.ge [sflag:s3], $0x80  }
0x11c: {  	[sflag:s3] =	ssyncset.done $0x0  }
0x11d: {  	[sflag:s3] =	ssyncadd.s32 $0xFFFFFF80  }
0x11e: {  	_ =	swait.ge [sflag:s3], $0x80  }
0x11f: {  	[sflag:s3] =	ssyncset.done $0x0  }
0x120: {  	[sflag:s3] =	ssyncadd.s32 $0xFFFFFF80  }
0x121: {  	_ =	swait.ge [sflag:s3], $0x80  }
0x122: {  	[sflag:s3] =	ssyncset.done $0x0  }
0x123: {  	[sflag:s3] =	ssyncadd.s32 $0xFFFFFF80  }
0x124: {  	_ =	swait.ge [sflag:s3], $0x80  }
0x125: {  	[sflag:s3] =	ssyncset.done $0x0  }
0x126: {  	[sflag:s3] =	ssyncadd.s32 $0xFFFFFF80  }
0x127: {  	_ =	swait.ge [sflag:s3], $0x80  }
0x128: {  	[sflag:s3] =	ssyncset.done $0x0  }
0x129: {  	[sflag:s3] =	ssyncadd.s32 $0xFFFFFF80  }
0x12a: {  	_ =	swait.ge [sflag:s3], $0x80  }
0x12b: {  	[sflag:s3] =	ssyncset.done $0x0  }
0x12c: {  	[sflag:s3] =	ssyncadd.s32 $0xFFFFFF80  }
0x12d: {  	_ =	swait.ge [sflag:s3], $0x80  }
0x12e: {  	[sflag:s3] =	ssyncset.done $0x0  }
0x12f: {  	[sflag:s3] =	ssyncadd.s32 $0xFFFFFF80  }
0x130: {  	[tilespmem:s14], [sflag:$0x2] =	stream.indirect.gather [hbm4b:s4+s23], $0x1, s2, s23, $0xb8;
	[tilespmem:$0x800] =	vst v63  }
0x131: {  	_ = 	snop  }
0x132: {  	[tilespmem:s15], [sflag:$0x2] =	stream.indirect.gather [hbm4b:s13+s23], $0x1, s24, s23, $0xb8;
	[tilespmem:$0x800] =	vst v63  }
0x133: {  	_ = 	snop  }
0x134: {  	[tilespmem:s16], [sflag:$0x2] =	stream.indirect.gather [hbm4b:s4+s23], $0x1, s23, s23, $0xb8;
	[tilespmem:$0x800] =	vst v63  }
0x135: {  	_ = 	snop  }
0x136: {  	[tilespmem:s17], [sflag:$0x2] =	stream.indirect.gather [hbm4b:s13+s23], $0x1, s25, s23, $0xb8;
	[tilespmem:$0x800] =	vst v63  }
0x137: {  	_ = 	snop  }
0x138: {  	[tilespmem:s18], [sflag:$0x2] =	stream.indirect.gather [hbm4b:s4+s23], $0x1, s26, s23, $0xb8;
	[tilespmem:$0x800] =	vst v63  }
0x139: {  	_ = 	snop  }
0x13a: {  	[tilespmem:s19], [sflag:$0x2] =	stream.indirect.gather [hbm4b:s13+s23], $0x1, s28, s23, $0xb8;
	[tilespmem:$0x800] =	vst v63  }
0x13b: {  	_ = 	snop  }
0x13c: {  	[tilespmem:s20], [sflag:$0x2] =	stream.indirect.gather [hbm4b:s4+s23], $0x1, s29, s23, $0xb8;
	[tilespmem:$0x800] =	vst v63  }
0x13d: {  	_ = 	snop  }
0x13e: {  	[tilespmem:s21], [sflag:$0x2] =	stream.indirect.gather [hbm4b:s13+s23], $0x1, s30, s23, $0xb8;
	[tilespmem:$0x800] =	vst v63  }
0x13f: {  	_ =	swait.ge [sflag:s22], $0x80  }
0x140: {  	[sflag:s22] =	ssyncset.done $0x0  }
0x141: {  	[sflag:s22] =	ssyncadd.s32 $0xFFFFFF80  }
0x142: {  	_ =	swait.ge [sflag:s22], $0x80  }
0x143: {  	[sflag:s22] =	ssyncset.done $0x0  }
0x144: {  	[sflag:s22] =	ssyncadd.s32 $0xFFFFFF80  }
0x145: {  	_ =	swait.ge [sflag:s22], $0x80  }
0x146: {  	[sflag:s22] =	ssyncset.done $0x0  }
0x147: {  	[sflag:s22] =	ssyncadd.s32 $0xFFFFFF80  }
0x148: {  	_ =	swait.ge [sflag:s22], $0x80  }
0x149: {  	[sflag:s22] =	ssyncset.done $0x0  }
0x14a: {  	[sflag:s22] =	ssyncadd.s32 $0xFFFFFF80  }
0x14b: {  	_ =	swait.ge [sflag:s22], $0x80  }
0x14c: {  	[sflag:s22] =	ssyncset.done $0x0  }
0x14d: {  	[sflag:s22] =	ssyncadd.s32 $0xFFFFFF80  }
0x14e: {  	_ =	swait.ge [sflag:s22], $0x80  }
0x14f: {  	[sflag:s22] =	ssyncset.done $0x0  }
0x150: {  	[sflag:s22] =	ssyncadd.s32 $0xFFFFFF80  }
0x151: {  	_ =	swait.ge [sflag:s22], $0x80  }
0x152: {  	[sflag:s22] =	ssyncset.done $0x0  }
0x153: {  	[sflag:s22] =	ssyncadd.s32 $0xFFFFFF80  }
0x154: {  	_ =	swait.ge [sflag:s22], $0x80  }
0x155: {  	[sflag:s22] =	ssyncset.done $0x0  }
0x156: {  	[sflag:s22] =	ssyncadd.s32 $0xFFFFFF80  }
0x157: {  	[hbm4b:s5+s2] =	stream.linear.scatter [tilespmem:s14], [sflag:$0x1], $0x80, $0x38;
	[tilespmem:$0x800] =	vst v63  }
0x158: {  	_ = 	snop  }
0x159: {  	[hbm4b:s6+s2] =	stream.linear.scatter [tilespmem:s15], [sflag:$0x1], $0x80, $0x38;
	[tilespmem:$0x800] =	vst v63  }
0x15a: {  	_ = 	snop  }
0x15b: {  	[hbm4b:s7+s2] =	stream.linear.scatter [tilespmem:s16], [sflag:$0x1], $0x80, $0x38;
	[tilespmem:$0x800] =	vst v63  }
0x15c: {  	_ = 	snop  }
0x15d: {  	[hbm4b:s8+s2] =	stream.linear.scatter [tilespmem:s17], [sflag:$0x1], $0x80, $0x38;
	[tilespmem:$0x800] =	vst v63  }
0x15e: {  	_ = 	snop  }
0x15f: {  	[hbm4b:s9+s2] =	stream.linear.scatter [tilespmem:s18], [sflag:$0x1], $0x80, $0x38;
	[tilespmem:$0x800] =	vst v63  }
0x160: {  	_ = 	snop  }
0x161: {  	[hbm4b:s10+s2] =	stream.linear.scatter [tilespmem:s19], [sflag:$0x1], $0x80, $0x38;
	[tilespmem:$0x800] =	vst v63  }
0x162: {  	_ = 	snop  }
0x163: {  	[hbm4b:s11+s2] =	stream.linear.scatter [tilespmem:s20], [sflag:$0x1], $0x80, $0x38;
	[tilespmem:$0x800] =	vst v63  }
0x164: {  	_ = 	snop  }
0x165: {  	[hbm4b:s12+s2] =	stream.linear.scatter [tilespmem:s21], [sflag:$0x1], $0x80, $0x38;
	[tilespmem:$0x800] =	vst v63  }
0x166: {  	_ =	swait.ge [sflag:s3], $0x80  }
0x167: {  	[sflag:s3] =	ssyncset.done $0x0  }
0x168: {  	[sflag:s3] =	ssyncadd.s32 $0xFFFFFF80  }
0x169: {  	_ =	swait.ge [sflag:s3], $0x80  }
0x16a: {  	[sflag:s3] =	ssyncset.done $0x0  }
0x16b: {  	[sflag:s3] =	ssyncadd.s32 $0xFFFFFF80  }
0x16c: {  	_ =	swait.ge [sflag:s3], $0x80  }
0x16d: {  	[sflag:s3] =	ssyncset.done $0x0  }
0x16e: {  	[sflag:s3] =	ssyncadd.s32 $0xFFFFFF80  }
0x16f: {  	_ =	swait.ge [sflag:s3], $0x80  }
0x170: {  	[sflag:s3] =	ssyncset.done $0x0  }
0x171: {  	[sflag:s3] =	ssyncadd.s32 $0xFFFFFF80  }
0x172: {  	_ =	swait.ge [sflag:s3], $0x80  }
0x173: {  	[sflag:s3] =	ssyncset.done $0x0  }
0x174: {  	[sflag:s3] =	ssyncadd.s32 $0xFFFFFF80  }
0x175: {  	_ =	swait.ge [sflag:s3], $0x80  }
0x176: {  	[sflag:s3] =	ssyncset.done $0x0  }
0x177: {  	[sflag:s3] =	ssyncadd.s32 $0xFFFFFF80  }
0x178: {  	_ =	swait.ge [sflag:s3], $0x80  }
0x179: {  	[sflag:s3] =	ssyncset.done $0x0  }
0x17a: {  	[sflag:s3] =	ssyncadd.s32 $0xFFFFFF80  }
0x17b: {  	_ =	swait.ge [sflag:s3], $0x80  }
0x17c: {  	[sflag:s3] =	ssyncset.done $0x0  }
0x17d: {  	[sflag:s3] =	ssyncadd.s32 $0xFFFFFF80  }
0x17e: {  	_ =	sfence.sel $0x180000  }
0x17f: {  	[bflag:$0x0] =	sbarrier.arrive $0xFFFF  }
0x180: {  	_ =	strace $0x90000047  }
0x181: {  	s31 =	stileid.u32;
	[bflag:$0x2] =	sbarrier.arrive $0xFFFF  }
0x182: {  	p0 =	sne.s32 s31, $0x0;
	s0 =	rddreg [dreg:$0x2]  }
0x183: {  	s0 =	sadd.s32 @!p0 $0x100000, s0  }
0x184: {  	[sflag:s0] =	ssyncadd.tile.s32 @!p0 $0x1;
	_ =	shalt  }
.Lfunc_end2:
_tile_overlayer_lowered:
.L_overlay_start_2:
0x185: {  	(tag) =	ssettag $0x2  }
0x186: {  	s0 =	rddreg [dreg:$0x0];
	s2 =	stileid.u32  }
0x187: {  	s1 =	rddreg [dreg:$0x1];
	p0 =	sne.s32 s2, $0x0  }
0x188: {  	s3 =	rddreg [dreg:$0x2];
	[bflag:$0x3] =	sbarrier.arrive $0xFFFF;
	s2 =	simm.s32 @!p0 $0x1C03  }
0x189: {  	[timem:s3], [sflag:s2] =	dma.local @!p0 [hbm:s0], s1  }
0x18a: {  	s0 =	simm.s32 @!p0 $0x3  }
0x18b: {  	_ =	swait.ge @!p0 [sflag:s0], s1  }
0x18c: {  	s1 =	ssub.s32 @!p0 $0x0, s1;
	[sflag:s0] =	ssyncset.done @!p0 $0x0  }
0x18d: {  	[sflag:s0] =	ssyncadd.s32 @!p0 s1  }
0x18e: {  	[bflag:$0x3] =	sbarrier.arrive $0xFFFF  }
0x18f: {  	_ =	shalt  }

</sc_bundles>
